<compile_context>
chip_gen: v7x
topology: tpu7x:2x2x1
jax: 0.10.2.dev20260603
libtpu: 0.0.44.dev20260713+nightly
codegen_flags: <defaults>
</compile_context>

<pallas_src>
import functools

import jax
import jax.numpy as jnp
from jax import lax
from jax.experimental import pallas as pl
from jax.experimental.pallas import tpu as pltpu
from jax.experimental.pallas import tpu_sc as plsc

NUM_EMB = 100000
D = 128
B = 16384
H = 50
HP = 56
NC = 2
NS = 16
NW = NC * NS
BP = B
SAMP_PER_W = BP // NW
PAIRS_PER_W = SAMP_PER_W // 2
IDX_PER_W = SAMP_PER_W * HP
NBUF = 2
GROUPS = PAIRS_PER_W // NBUF


def _emb_body(x_hbm, tab_hbm, out, idx_v, buf, gsem, wsem):
    wid = lax.axis_index("s") * NC + lax.axis_index("c")
    base_s = wid * SAMP_PER_W
    pltpu.sync_copy(x_hbm.at[pl.ds(wid * IDX_PER_W, IDX_PER_W)], idx_v)

    def gather_desc(p, b):
        sl = idx_v.at[pl.ds(p * (2 * HP), 2 * HP)]
        return pltpu.make_async_copy(tab_hbm.at[sl], buf.at[b], gsem.at[b])

    def write_descs(p, b):
        s0 = base_s + 2 * p
        return (pltpu.make_async_copy(buf.at[b, pl.ds(0, H)], out.at[s0],
                                      wsem.at[b]),
                pltpu.make_async_copy(buf.at[b, pl.ds(HP, H)], out.at[s0 + 1],
                                      wsem.at[b]))

    for b in range(NBUF):
        gather_desc(b, b).start()

    def body(g, carry):
        base = g * NBUF
        for b in range(NBUF):
            p = base + b
            gather_desc(p, b).wait()
            for d in write_descs(p, b):
                d.start()

        @pl.when(g < GROUPS - 1)
        def _():
            for b in range(NBUF):
                p = base + b
                for d in write_descs(p, b):
                    d.wait()
                gather_desc(p + NBUF, b).start()

        return carry

    lax.fori_loop(0, GROUPS, body, 0)

    last = GROUPS - 1
    for b in range(NBUF):
        for d in write_descs(last * NBUF + b, b):
            d.wait()


@jax.jit
def _run(x1d, real_w, imag_w):
    mesh = plsc.VectorSubcoreMesh(core_axis_name="c", subcore_axis_name="s")
    f = functools.partial(
        pl.kernel,
        out_type=jax.ShapeDtypeStruct((BP, H, D), jnp.float32),
        mesh=mesh,
        compiler_params=pltpu.CompilerParams(use_tc_tiling_on_sc=True,
                                             needs_layout_passes=True),
        scratch_types=[
            pltpu.VMEM((IDX_PER_W,), jnp.int32),
            pltpu.VMEM((NBUF, 2 * HP, D), jnp.float32),
            pltpu.SemaphoreType.DMA((NBUF,)),
            pltpu.SemaphoreType.DMA((NBUF,)),
        ],
    )(_emb_body)
    real = f(x1d, real_w)
    imag = f(x1d, imag_w)
    return real, imag


def kernel(x, real_w, imag_w):
    xi = x.astype(jnp.int32)
    xp = jnp.concatenate([xi, xi[:, : HP - H]], axis=1)
    return _run(xp.reshape(B * HP), real_w, imag_w)

# --- scband reference (transcript-rebuilt; emitter-appended) ---
"""Pipeline reference for scband-complex-embedding-70102456205986 (READ-ONLY COPY).

The authoritative reference and input builder live on the scoring server;
editing this copy changes nothing except your own understanding.
"""

import jax, jax.numpy as jnp
import numpy as np

NUM_EMBEDDINGS = 100000
EMBED_DIM = 128
BATCH = 16384
HIST = 50

def setup_inputs(seed: int = 0) -> dict:
    key = jax.random.key(seed)
    k1, k2, k3 = jax.random.split(key, 3)
    x = jax.random.randint(k1, (BATCH, HIST), 0, NUM_EMBEDDINGS, dtype=jnp.int64 if jax.config.jax_enable_x64 else jnp.int32)
    real_w = jax.random.normal(k2, (NUM_EMBEDDINGS, EMBED_DIM), dtype=jnp.float32) * 0.02
    imag_w = jax.random.normal(k3, (NUM_EMBEDDINGS, EMBED_DIM), dtype=jnp.float32) * 0.01
    return {"x": x, "real_w": real_w, "imag_w": imag_w}

def reference(x, real_w, imag_w):
    # Complex-valued embedding: gather from two separate tables
    real_out = jnp.take(real_w, x, axis=0)
    imag_out = jnp.take(imag_w, x, axis=0)
    return (real_out, imag_out)

if __name__ == "__main__":
    import jax
    _d = setup_inputs()
    print(jax.jit(kernel)(*tuple(_d.values())))

</pallas_src>

<mosaic_0001>
#map = affine_map<(d0, d1) -> (0)>
#map1 = affine_map<(d0, d1) -> (0, 0)>
#map2 = affine_map<(d0, d1) -> (0, 0, 0)>
module attributes {stable_mosaic.version = 14 : i64} {
  func.func @_emb_body(%arg0: i32, %arg1: i32, %arg2: memref<917504xi32, #tpu.memory_space<hbm>>, %arg3: memref<100000x128xf32, #tpu.memory_space<hbm>>, %arg4: memref<16384x50x128xf32, #tpu.memory_space<hbm>>, %arg5: memref<28672xi32, #tpu.memory_space<vmem>>, %arg6: memref<2x112x128xf32, #tpu.memory_space<vmem>>, %arg7: memref<2x!tpu.dma_semaphore, #tpu.memory_space<semaphore_mem>>, %arg8: memref<2x!tpu.dma_semaphore, #tpu.memory_space<semaphore_mem>>) attributes {dimension_semantics = [#tpu.dimension_semantics<core_parallel>, #tpu.dimension_semantics<subcore_parallel>], iteration_bounds = array<i64: 2, 16>, scalar_prefetch = 0 : i64, scratch_operands = 4 : i64, tpu.core_type = #tpu.core_type<sc_vector_subcore>, window_params = [{transform_indices = #map}, {transform_indices = #map1}, {transform_indices = #map2}]} {
    %mul3A = arith.constant 2 : i32
    %mul3A_0 = arith.muli %arg1, %mul3A : i32
    %add3A = arith.addi %mul3A_0, %arg0 : i32
    %mul3A_1 = arith.constant 512 : i32
    %mul3A_2 = arith.muli %add3A, %mul3A_1 : i32
    %mul3A_3 = arith.constant 28672 : i32
    %mul3A_4 = arith.muli %add3A, %mul3A_3 : i32
    "tpu.region"() ({
      %run_scoped3A = tpu.sem_alloc : memref<!tpu.dma_semaphore, #tpu.memory_space<semaphore_mem>>
      %dma_start3A_122 = tpu.memref_slice %arg2[%mul3A_4] : memref<917504xi32, #tpu.memory_space<hbm>> -> memref<28672xi32, #tpu.memory_space<hbm>>
      %dma_start3A_123 = tpu.memref_slice %arg2[%mul3A_4] : memref<917504xi32, #tpu.memory_space<hbm>> -> memref<28672xi32, #tpu.memory_space<hbm>>
      tpu.enqueue_dma source(%dma_start3A_123 : memref<28672xi32, #tpu.memory_space<hbm>>) target(%arg5 : memref<28672xi32, #tpu.memory_space<vmem>>) target_semaphore(%run_scoped3A : memref<!tpu.dma_semaphore, #tpu.memory_space<semaphore_mem>>)
      %dma_wait3A_124 = tpu.memref_slice %arg2[%mul3A_4] : memref<917504xi32, #tpu.memory_space<hbm>> -> memref<28672xi32, #tpu.memory_space<hbm>>
      %dma_wait3A_125 = tpu.memref_slice %arg2[%mul3A_4] : memref<917504xi32, #tpu.memory_space<hbm>> -> memref<28672xi32, #tpu.memory_space<hbm>>
      tpu.wait_dma2 semaphore(%run_scoped3A : memref<!tpu.dma_semaphore, #tpu.memory_space<semaphore_mem>>) src(%dma_wait3A_125 : memref<28672xi32, #tpu.memory_space<hbm>>) dst(%arg5 : memref<28672xi32, #tpu.memory_space<vmem>>)
      tpu.yield
    }) : () -> ()
    %dma_start3A = arith.constant 0 : i32
    %dma_start3A_5 = arith.constant 0 : i32
    %dma_start3A_6 = arith.constant 0 : i32
    %dma_start3A_7 = arith.constant 0 : i32
    %dma_start3A_8 = tpu.memref_slice %arg6[%dma_start3A, %dma_start3A_6, %dma_start3A_7] : memref<2x112x128xf32, #tpu.memory_space<vmem>> -> memref<1x112x128xf32, #tpu.memory_space<vmem>>
    %dma_start3A_9 = tpu.memref_squeeze %dma_start3A_8 : memref<1x112x128xf32, #tpu.memory_space<vmem>> -> memref<112x128xf32, #tpu.memory_space<vmem>>
    %dma_start3A_10 = arith.constant 0 : i32
    %dma_start3A_11 = tpu.memref_slice %arg5[%dma_start3A_10] : memref<28672xi32, #tpu.memory_space<vmem>> -> memref<112xi32, #tpu.memory_space<vmem>>
    %dma_start3A_12 = arith.constant 0 : i32
    %dma_start3A_13 = arith.constant 0 : i32
    %dma_start3A_14 = tpu.memref_slice %arg3[%dma_start3A_12, %dma_start3A_13] : memref<100000x128xf32, #tpu.memory_space<hbm>> -> memref<100000x128xf32, #tpu.memory_space<hbm>>
    %dma_start3A_15 = tpu.memref_slice %arg7[%dma_start3A_5] : memref<2x!tpu.dma_semaphore, #tpu.memory_space<semaphore_mem>> -> memref<1x!tpu.dma_semaphore, #tpu.memory_space<semaphore_mem>>
    %dma_start3A_16 = tpu.memref_squeeze %dma_start3A_15 : memref<1x!tpu.dma_semaphore, #tpu.memory_space<semaphore_mem>> -> memref<!tpu.dma_semaphore, #tpu.memory_space<semaphore_mem>>
    tpu.enqueue_indirect_dma source(%dma_start3A_14 : memref<100000x128xf32, #tpu.memory_space<hbm>>) target(%dma_start3A_9 : memref<112x128xf32, #tpu.memory_space<vmem>>) offsets(%dma_start3A_11 : memref<112xi32, #tpu.memory_space<vmem>>) semaphore(%dma_start3A_16 : memref<!tpu.dma_semaphore, #tpu.memory_space<semaphore_mem>>)
    %dma_start3A_17 = arith.constant 1 : i32
    %dma_start3A_18 = arith.constant 1 : i32
    %dma_start3A_19 = arith.constant 0 : i32
    %dma_start3A_20 = arith.constant 0 : i32
    %dma_start3A_21 = tpu.memref_slice %arg6[%dma_start3A_17, %dma_start3A_19, %dma_start3A_20] : memref<2x112x128xf32, #tpu.memory_space<vmem>> -> memref<1x112x128xf32, #tpu.memory_space<vmem>>
    %dma_start3A_22 = tpu.memref_squeeze %dma_start3A_21 : memref<1x112x128xf32, #tpu.memory_space<vmem>> -> memref<112x128xf32, #tpu.memory_space<vmem>>
    %dma_start3A_23 = arith.constant 112 : i32
    %dma_start3A_24 = tpu.memref_slice %arg5[%dma_start3A_23] : memref<28672xi32, #tpu.memory_space<vmem>> -> memref<112xi32, #tpu.memory_space<vmem>>
    %dma_start3A_25 = arith.constant 0 : i32
    %dma_start3A_26 = arith.constant 0 : i32
    %dma_start3A_27 = tpu.memref_slice %arg3[%dma_start3A_25, %dma_start3A_26] : memref<100000x128xf32, #tpu.memory_space<hbm>> -> memref<100000x128xf32, #tpu.memory_space<hbm>>
    %dma_start3A_28 = tpu.memref_slice %arg7[%dma_start3A_18] : memref<2x!tpu.dma_semaphore, #tpu.memory_space<semaphore_mem>> -> memref<1x!tpu.dma_semaphore, #tpu.memory_space<semaphore_mem>>
    %dma_start3A_29 = tpu.memref_squeeze %dma_start3A_28 : memref<1x!tpu.dma_semaphore, #tpu.memory_space<semaphore_mem>> -> memref<!tpu.dma_semaphore, #tpu.memory_space<semaphore_mem>>
    tpu.enqueue_indirect_dma source(%dma_start3A_27 : memref<100000x128xf32, #tpu.memory_space<hbm>>) target(%dma_start3A_22 : memref<112x128xf32, #tpu.memory_space<vmem>>) offsets(%dma_start3A_24 : memref<112xi32, #tpu.memory_space<vmem>>) semaphore(%dma_start3A_29 : memref<!tpu.dma_semaphore, #tpu.memory_space<semaphore_mem>>)
    %scan3A = arith.constant 0 : i32
    %scan3A_30 = arith.constant 0 : i32
    %scan3A_31 = arith.constant 128 : i32
    %scan3A_32 = arith.addi %scan3A_30, %scan3A_31 : i32
    %scan3A_33 = arith.constant 1 : i32
    scf.for %scan3A_122 = %scan3A_30 to %scan3A_32 step %scan3A_33  : i32 {
      %mul3A_123 = arith.constant 2 : i32
      %mul3A_124 = arith.muli %scan3A_122, %mul3A_123 : i32
      %add3A_125 = arith.constant 0 : i32
      %add3A_126 = arith.addi %mul3A_124, %add3A_125 : i32
      %mul3A_127 = arith.constant 112 : i32
      %mul3A_128 = arith.muli %add3A_126, %mul3A_127 : i32
      %dma_wait3A_129 = arith.constant 0 : i32
      %dma_wait3A_130 = arith.constant 0 : i32
      %dma_wait3A_131 = arith.constant 0 : i32
      %dma_wait3A_132 = arith.constant 0 : i32
      %dma_wait3A_133 = tpu.memref_slice %arg6[%dma_wait3A_129, %dma_wait3A_131, %dma_wait3A_132] : memref<2x112x128xf32, #tpu.memory_space<vmem>> -> memref<1x112x128xf32, #tpu.memory_space<vmem>>
      %dma_wait3A_134 = tpu.memref_squeeze %dma_wait3A_133 : memref<1x112x128xf32, #tpu.memory_space<vmem>> -> memref<112x128xf32, #tpu.memory_space<vmem>>
      %dma_wait3A_135 = tpu.memref_slice %arg5[%mul3A_128] : memref<28672xi32, #tpu.memory_space<vmem>> -> memref<112xi32, #tpu.memory_space<vmem>>
      %dma_wait3A_136 = arith.constant 0 : i32
      %dma_wait3A_137 = arith.constant 0 : i32
      %dma_wait3A_138 = tpu.memref_slice %arg3[%dma_wait3A_136, %dma_wait3A_137] : memref<100000x128xf32, #tpu.memory_space<hbm>> -> memref<100000x128xf32, #tpu.memory_space<hbm>>
      %dma_wait3A_139 = tpu.memref_slice %arg7[%dma_wait3A_130] : memref<2x!tpu.dma_semaphore, #tpu.memory_space<semaphore_mem>> -> memref<1x!tpu.dma_semaphore, #tpu.memory_space<semaphore_mem>>
      %dma_wait3A_140 = tpu.memref_squeeze %dma_wait3A_139 : memref<1x!tpu.dma_semaphore, #tpu.memory_space<semaphore_mem>> -> memref<!tpu.dma_semaphore, #tpu.memory_space<semaphore_mem>>
      tpu.wait_indirect_dma semaphore(%dma_wait3A_140 : memref<!tpu.dma_semaphore, #tpu.memory_space<semaphore_mem>>) src(%dma_wait3A_138 : memref<100000x128xf32, #tpu.memory_space<hbm>>) dst(%dma_wait3A_134 : memref<112x128xf32, #tpu.memory_space<vmem>>)
      %mul3A_141 = arith.constant 2 : i32
      %mul3A_142 = arith.muli %mul3A_141, %add3A_126 : i32
      %add3A_143 = arith.addi %mul3A_2, %mul3A_142 : i32
      %add3A_144 = arith.constant 1 : i32
      %add3A_145 = arith.addi %add3A_143, %add3A_144 : i32
      %dma_start3A_146 = arith.constant 0 : i32
      %dma_start3A_147 = arith.constant 0 : i32
      %dma_start3A_148 = arith.constant 0 : i32
      %dma_start3A_149 = arith.constant 0 : i32
      %dma_start3A_150 = tpu.memref_slice %arg6[%dma_start3A_146, %dma_start3A_148, %dma_start3A_149] : memref<2x112x128xf32, #tpu.memory_space<vmem>> -> memref<1x50x128xf32, #tpu.memory_space<vmem>>
      %dma_start3A_151 = tpu.memref_squeeze %dma_start3A_150 : memref<1x50x128xf32, #tpu.memory_space<vmem>> -> memref<50x128xf32, #tpu.memory_space<vmem>>
      %dma_start3A_152 = arith.constant 0 : i32
      %dma_start3A_153 = arith.constant 0 : i32
      %dma_start3A_154 = tpu.memref_slice %arg4[%add3A_143, %dma_start3A_152, %dma_start3A_153] : memref<16384x50x128xf32, #tpu.memory_space<hbm>> -> memref<1x50x128xf32, #tpu.memory_space<hbm>>
      %dma_start3A_155 = tpu.memref_squeeze %dma_start3A_154 : memref<1x50x128xf32, #tpu.memory_space<hbm>> -> memref<50x128xf32, #tpu.memory_space<hbm>>
      %dma_start3A_156 = tpu.memref_slice %arg8[%dma_start3A_147] : memref<2x!tpu.dma_semaphore, #tpu.memory_space<semaphore_mem>> -> memref<1x!tpu.dma_semaphore, #tpu.memory_space<semaphore_mem>>
      %dma_start3A_157 = tpu.memref_squeeze %dma_start3A_156 : memref<1x!tpu.dma_semaphore, #tpu.memory_space<semaphore_mem>> -> memref<!tpu.dma_semaphore, #tpu.memory_space<semaphore_mem>>
      %dma_start3A_158 = arith.constant 0 : i32
      %dma_start3A_159 = arith.constant 0 : i32
      %dma_start3A_160 = tpu.memref_slice %arg4[%add3A_143, %dma_start3A_158, %dma_start3A_159] : memref<16384x50x128xf32, #tpu.memory_space<hbm>> -> memref<1x50x128xf32, #tpu.memory_space<hbm>>
      %dma_start3A_161 = tpu.memref_squeeze %dma_start3A_160 : memref<1x50x128xf32, #tpu.memory_space<hbm>> -> memref<50x128xf32, #tpu.memory_space<hbm>>
      %dma_start3A_162 = arith.constant 0 : i32
      %dma_start3A_163 = arith.constant 0 : i32
      %dma_start3A_164 = tpu.memref_slice %arg6[%dma_start3A_146, %dma_start3A_162, %dma_start3A_163] : memref<2x112x128xf32, #tpu.memory_space<vmem>> -> memref<1x50x128xf32, #tpu.memory_space<vmem>>
      %dma_start3A_165 = tpu.memref_squeeze %dma_start3A_164 : memref<1x50x128xf32, #tpu.memory_space<vmem>> -> memref<50x128xf32, #tpu.memory_space<vmem>>
      tpu.enqueue_dma source(%dma_start3A_165 : memref<50x128xf32, #tpu.memory_space<vmem>>) target(%dma_start3A_161 : memref<50x128xf32, #tpu.memory_space<hbm>>) target_semaphore(%dma_start3A_157 : memref<!tpu.dma_semaphore, #tpu.memory_space<semaphore_mem>>)
      %dma_start3A_166 = arith.constant 0 : i32
      %dma_start3A_167 = arith.constant 0 : i32
      %dma_start3A_168 = arith.constant 56 : i32
      %dma_start3A_169 = arith.constant 0 : i32
      %dma_start3A_170 = tpu.memref_slice %arg6[%dma_start3A_166, %dma_start3A_168, %dma_start3A_169] : memref<2x112x128xf32, #tpu.memory_space<vmem>> -> memref<1x50x128xf32, #tpu.memory_space<vmem>>
      %dma_start3A_171 = tpu.memref_squeeze %dma_start3A_170 : memref<1x50x128xf32, #tpu.memory_space<vmem>> -> memref<50x128xf32, #tpu.memory_space<vmem>>
      %dma_start3A_172 = arith.constant 0 : i32
      %dma_start3A_173 = arith.constant 0 : i32
      %dma_start3A_174 = tpu.memref_slice %arg4[%add3A_145, %dma_start3A_172, %dma_start3A_173] : memref<16384x50x128xf32, #tpu.memory_space<hbm>> -> memref<1x50x128xf32, #tpu.memory_space<hbm>>
      %dma_start3A_175 = tpu.memref_squeeze %dma_start3A_174 : memref<1x50x128xf32, #tpu.memory_space<hbm>> -> memref<50x128xf32, #tpu.memory_space<hbm>>
      %dma_start3A_176 = tpu.memref_slice %arg8[%dma_start3A_167] : memref<2x!tpu.dma_semaphore, #tpu.memory_space<semaphore_mem>> -> memref<1x!tpu.dma_semaphore, #tpu.memory_space<semaphore_mem>>
      %dma_start3A_177 = tpu.memref_squeeze %dma_start3A_176 : memref<1x!tpu.dma_semaphore, #tpu.memory_space<semaphore_mem>> -> memref<!tpu.dma_semaphore, #tpu.memory_space<semaphore_mem>>
      %dma_start3A_178 = arith.constant 0 : i32
      %dma_start3A_179 = arith.constant 0 : i32
      %dma_start3A_180 = tpu.memref_slice %arg4[%add3A_145, %dma_start3A_178, %dma_start3A_179] : memref<16384x50x128xf32, #tpu.memory_space<hbm>> -> memref<1x50x128xf32, #tpu.memory_space<hbm>>
      %dma_start3A_181 = tpu.memref_squeeze %dma_start3A_180 : memref<1x50x128xf32, #tpu.memory_space<hbm>> -> memref<50x128xf32, #tpu.memory_space<hbm>>
      %dma_start3A_182 = arith.constant 56 : i32
      %dma_start3A_183 = arith.constant 0 : i32
      %dma_start3A_184 = tpu.memref_slice %arg6[%dma_start3A_166, %dma_start3A_182, %dma_start3A_183] : memref<2x112x128xf32, #tpu.memory_space<vmem>> -> memref<1x50x128xf32, #tpu.memory_space<vmem>>
      %dma_start3A_185 = tpu.memref_squeeze %dma_start3A_184 : memref<1x50x128xf32, #tpu.memory_space<vmem>> -> memref<50x128xf32, #tpu.memory_space<vmem>>
      tpu.enqueue_dma source(%dma_start3A_185 : memref<50x128xf32, #tpu.memory_space<vmem>>) target(%dma_start3A_181 : memref<50x128xf32, #tpu.memory_space<hbm>>) target_semaphore(%dma_start3A_177 : memref<!tpu.dma_semaphore, #tpu.memory_space<semaphore_mem>>)
      %add3A_186 = arith.constant 1 : i32
      %add3A_187 = arith.addi %mul3A_124, %add3A_186 : i32
      %mul3A_188 = arith.constant 112 : i32
      %mul3A_189 = arith.muli %add3A_187, %mul3A_188 : i32
      %dma_wait3A_190 = arith.constant 1 : i32
      %dma_wait3A_191 = arith.constant 1 : i32
      %dma_wait3A_192 = arith.constant 0 : i32
      %dma_wait3A_193 = arith.constant 0 : i32
      %dma_wait3A_194 = tpu.memref_slice %arg6[%dma_wait3A_190, %dma_wait3A_192, %dma_wait3A_193] : memref<2x112x128xf32, #tpu.memory_space<vmem>> -> memref<1x112x128xf32, #tpu.memory_space<vmem>>
      %dma_wait3A_195 = tpu.memref_squeeze %dma_wait3A_194 : memref<1x112x128xf32, #tpu.memory_space<vmem>> -> memref<112x128xf32, #tpu.memory_space<vmem>>
      %dma_wait3A_196 = tpu.memref_slice %arg5[%mul3A_189] : memref<28672xi32, #tpu.memory_space<vmem>> -> memref<112xi32, #tpu.memory_space<vmem>>
      %dma_wait3A_197 = arith.constant 0 : i32
      %dma_wait3A_198 = arith.constant 0 : i32
      %dma_wait3A_199 = tpu.memref_slice %arg3[%dma_wait3A_197, %dma_wait3A_198] : memref<100000x128xf32, #tpu.memory_space<hbm>> -> memref<100000x128xf32, #tpu.memory_space<hbm>>
      %dma_wait3A_200 = tpu.memref_slice %arg7[%dma_wait3A_191] : memref<2x!tpu.dma_semaphore, #tpu.memory_space<semaphore_mem>> -> memref<1x!tpu.dma_semaphore, #tpu.memory_space<semaphore_mem>>
      %dma_wait3A_201 = tpu.memref_squeeze %dma_wait3A_200 : memref<1x!tpu.dma_semaphore, #tpu.memory_space<semaphore_mem>> -> memref<!tpu.dma_semaphore, #tpu.memory_space<semaphore_mem>>
      tpu.wait_indirect_dma semaphore(%dma_wait3A_201 : memref<!tpu.dma_semaphore, #tpu.memory_space<semaphore_mem>>) src(%dma_wait3A_199 : memref<100000x128xf32, #tpu.memory_space<hbm>>) dst(%dma_wait3A_195 : memref<112x128xf32, #tpu.memory_space<vmem>>)
      %mul3A_202 = arith.constant 2 : i32
      %mul3A_203 = arith.muli %mul3A_202, %add3A_187 : i32
      %add3A_204 = arith.addi %mul3A_2, %mul3A_203 : i32
      %add3A_205 = arith.constant 1 : i32
      %add3A_206 = arith.addi %add3A_204, %add3A_205 : i32
      %dma_start3A_207 = arith.constant 1 : i32
      %dma_start3A_208 = arith.constant 1 : i32
      %dma_start3A_209 = arith.constant 0 : i32
      %dma_start3A_210 = arith.constant 0 : i32
      %dma_start3A_211 = tpu.memref_slice %arg6[%dma_start3A_207, %dma_start3A_209, %dma_start3A_210] : memref<2x112x128xf32, #tpu.memory_space<vmem>> -> memref<1x50x128xf32, #tpu.memory_space<vmem>>
      %dma_start3A_212 = tpu.memref_squeeze %dma_start3A_211 : memref<1x50x128xf32, #tpu.memory_space<vmem>> -> memref<50x128xf32, #tpu.memory_space<vmem>>
      %dma_start3A_213 = arith.constant 0 : i32
      %dma_start3A_214 = arith.constant 0 : i32
      %dma_start3A_215 = tpu.memref_slice %arg4[%add3A_204, %dma_start3A_213, %dma_start3A_214] : memref<16384x50x128xf32, #tpu.memory_space<hbm>> -> memref<1x50x128xf32, #tpu.memory_space<hbm>>
      %dma_start3A_216 = tpu.memref_squeeze %dma_start3A_215 : memref<1x50x128xf32, #tpu.memory_space<hbm>> -> memref<50x128xf32, #tpu.memory_space<hbm>>
      %dma_start3A_217 = tpu.memref_slice %arg8[%dma_start3A_208] : memref<2x!tpu.dma_semaphore, #tpu.memory_space<semaphore_mem>> -> memref<1x!tpu.dma_semaphore, #tpu.memory_space<semaphore_mem>>
      %dma_start3A_218 = tpu.memref_squeeze %dma_start3A_217 : memref<1x!tpu.dma_semaphore, #tpu.memory_space<semaphore_mem>> -> memref<!tpu.dma_semaphore, #tpu.memory_space<semaphore_mem>>
      %dma_start3A_219 = arith.constant 0 : i32
      %dma_start3A_220 = arith.constant 0 : i32
      %dma_start3A_221 = tpu.memref_slice %arg4[%add3A_204, %dma_start3A_219, %dma_start3A_220] : memref<16384x50x128xf32, #tpu.memory_space<hbm>> -> memref<1x50x128xf32, #tpu.memory_space<hbm>>
      %dma_start3A_222 = tpu.memref_squeeze %dma_start3A_221 : memref<1x50x128xf32, #tpu.memory_space<hbm>> -> memref<50x128xf32, #tpu.memory_space<hbm>>
      %dma_start3A_223 = arith.constant 0 : i32
      %dma_start3A_224 = arith.constant 0 : i32
      %dma_start3A_225 = tpu.memref_slice %arg6[%dma_start3A_207, %dma_start3A_223, %dma_start3A_224] : memref<2x112x128xf32, #tpu.memory_space<vmem>> -> memref<1x50x128xf32, #tpu.memory_space<vmem>>
      %dma_start3A_226 = tpu.memref_squeeze %dma_start3A_225 : memref<1x50x128xf32, #tpu.memory_space<vmem>> -> memref<50x128xf32, #tpu.memory_space<vmem>>
      tpu.enqueue_dma source(%dma_start3A_226 : memref<50x128xf32, #tpu.memory_space<vmem>>) target(%dma_start3A_222 : memref<50x128xf32, #tpu.memory_space<hbm>>) target_semaphore(%dma_start3A_218 : memref<!tpu.dma_semaphore, #tpu.memory_space<semaphore_mem>>)
      %dma_start3A_227 = arith.constant 1 : i32
      %dma_start3A_228 = arith.constant 1 : i32
      %dma_start3A_229 = arith.constant 56 : i32
      %dma_start3A_230 = arith.constant 0 : i32
      %dma_start3A_231 = tpu.memref_slice %arg6[%dma_start3A_227, %dma_start3A_229, %dma_start3A_230] : memref<2x112x128xf32, #tpu.memory_space<vmem>> -> memref<1x50x128xf32, #tpu.memory_space<vmem>>
      %dma_start3A_232 = tpu.memref_squeeze %dma_start3A_231 : memref<1x50x128xf32, #tpu.memory_space<vmem>> -> memref<50x128xf32, #tpu.memory_space<vmem>>
      %dma_start3A_233 = arith.constant 0 : i32
      %dma_start3A_234 = arith.constant 0 : i32
      %dma_start3A_235 = tpu.memref_slice %arg4[%add3A_206, %dma_start3A_233, %dma_start3A_234] : memref<16384x50x128xf32, #tpu.memory_space<hbm>> -> memref<1x50x128xf32, #tpu.memory_space<hbm>>
      %dma_start3A_236 = tpu.memref_squeeze %dma_start3A_235 : memref<1x50x128xf32, #tpu.memory_space<hbm>> -> memref<50x128xf32, #tpu.memory_space<hbm>>
      %dma_start3A_237 = tpu.memref_slice %arg8[%dma_start3A_228] : memref<2x!tpu.dma_semaphore, #tpu.memory_space<semaphore_mem>> -> memref<1x!tpu.dma_semaphore, #tpu.memory_space<semaphore_mem>>
      %dma_start3A_238 = tpu.memref_squeeze %dma_start3A_237 : memref<1x!tpu.dma_semaphore, #tpu.memory_space<semaphore_mem>> -> memref<!tpu.dma_semaphore, #tpu.memory_space<semaphore_mem>>
      %dma_start3A_239 = arith.constant 0 : i32
      %dma_start3A_240 = arith.constant 0 : i32
      %dma_start3A_241 = tpu.memref_slice %arg4[%add3A_206, %dma_start3A_239, %dma_start3A_240] : memref<16384x50x128xf32, #tpu.memory_space<hbm>> -> memref<1x50x128xf32, #tpu.memory_space<hbm>>
      %dma_start3A_242 = tpu.memref_squeeze %dma_start3A_241 : memref<1x50x128xf32, #tpu.memory_space<hbm>> -> memref<50x128xf32, #tpu.memory_space<hbm>>
      %dma_start3A_243 = arith.constant 56 : i32
      %dma_start3A_244 = arith.constant 0 : i32
      %dma_start3A_245 = tpu.memref_slice %arg6[%dma_start3A_227, %dma_start3A_243, %dma_start3A_244] : memref<2x112x128xf32, #tpu.memory_space<vmem>> -> memref<1x50x128xf32, #tpu.memory_space<vmem>>
      %dma_start3A_246 = tpu.memref_squeeze %dma_start3A_245 : memref<1x50x128xf32, #tpu.memory_space<vmem>> -> memref<50x128xf32, #tpu.memory_space<vmem>>
      tpu.enqueue_dma source(%dma_start3A_246 : memref<50x128xf32, #tpu.memory_space<vmem>>) target(%dma_start3A_242 : memref<50x128xf32, #tpu.memory_space<hbm>>) target_semaphore(%dma_start3A_238 : memref<!tpu.dma_semaphore, #tpu.memory_space<semaphore_mem>>)
      %lt3A = arith.constant 127 : i32
      %lt3A_247 = arith.cmpi slt, %scan3A_122, %lt3A : i32
      %convert_element_type3A = arith.extui %lt3A_247 : i1 to i32
      %cond3A = arith.constant 0 : i32
      %cond3A_248 = arith.cmpi ne, %convert_element_type3A, %cond3A : i32
      scf.if %cond3A_248 {
        %add3A_249 = arith.constant 0 : i32
        %add3A_250 = arith.addi %mul3A_124, %add3A_249 : i32
        %mul3A_251 = arith.constant 2 : i32
        %mul3A_252 = arith.muli %mul3A_251, %add3A_250 : i32
        %add3A_253 = arith.addi %mul3A_2, %mul3A_252 : i32
        %add3A_254 = arith.constant 1 : i32
        %add3A_255 = arith.addi %add3A_253, %add3A_254 : i32
        %dma_wait3A_256 = arith.constant 0 : i32
        %dma_wait3A_257 = arith.constant 0 : i32
        %dma_wait3A_258 = arith.constant 0 : i32
        %dma_wait3A_259 = arith.constant 0 : i32
        %dma_wait3A_260 = tpu.memref_slice %arg6[%dma_wait3A_256, %dma_wait3A_258, %dma_wait3A_259] : memref<2x112x128xf32, #tpu.memory_space<vmem>> -> memref<1x50x128xf32, #tpu.memory_space<vmem>>
        %dma_wait3A_261 = tpu.memref_squeeze %dma_wait3A_260 : memref<1x50x128xf32, #tpu.memory_space<vmem>> -> memref<50x128xf32, #tpu.memory_space<vmem>>
        %dma_wait3A_262 = arith.constant 0 : i32
        %dma_wait3A_263 = arith.constant 0 : i32
        %dma_wait3A_264 = tpu.memref_slice %arg4[%add3A_253, %dma_wait3A_262, %dma_wait3A_263] : memref<16384x50x128xf32, #tpu.memory_space<hbm>> -> memref<1x50x128xf32, #tpu.memory_space<hbm>>
        %dma_wait3A_265 = tpu.memref_squeeze %dma_wait3A_264 : memref<1x50x128xf32, #tpu.memory_space<hbm>> -> memref<50x128xf32, #tpu.memory_space<hbm>>
        %dma_wait3A_266 = tpu.memref_slice %arg8[%dma_wait3A_257] : memref<2x!tpu.dma_semaphore, #tpu.memory_space<semaphore_mem>> -> memref<1x!tpu.dma_semaphore, #tpu.memory_space<semaphore_mem>>
        %dma_wait3A_267 = tpu.memref_squeeze %dma_wait3A_266 : memref<1x!tpu.dma_semaphore, #tpu.memory_space<semaphore_mem>> -> memref<!tpu.dma_semaphore, #tpu.memory_space<semaphore_mem>>
        %dma_wait3A_268 = arith.constant 0 : i32
        %dma_wait3A_269 = arith.constant 0 : i32
        %dma_wait3A_270 = tpu.memref_slice %arg4[%add3A_253, %dma_wait3A_268, %dma_wait3A_269] : memref<16384x50x128xf32, #tpu.memory_space<hbm>> -> memref<1x50x128xf32, #tpu.memory_space<hbm>>
        %dma_wait3A_271 = tpu.memref_squeeze %dma_wait3A_270 : memref<1x50x128xf32, #tpu.memory_space<hbm>> -> memref<50x128xf32, #tpu.memory_space<hbm>>
        %dma_wait3A_272 = arith.constant 0 : i32
        %dma_wait3A_273 = arith.constant 0 : i32
        %dma_wait3A_274 = tpu.memref_slice %arg6[%dma_wait3A_256, %dma_wait3A_272, %dma_wait3A_273] : memref<2x112x128xf32, #tpu.memory_space<vmem>> -> memref<1x50x128xf32, #tpu.memory_space<vmem>>
        %dma_wait3A_275 = tpu.memref_squeeze %dma_wait3A_274 : memref<1x50x128xf32, #tpu.memory_space<vmem>> -> memref<50x128xf32, #tpu.memory_space<vmem>>
        tpu.wait_dma2 semaphore(%dma_wait3A_267 : memref<!tpu.dma_semaphore, #tpu.memory_space<semaphore_mem>>) src(%dma_wait3A_275 : memref<50x128xf32, #tpu.memory_space<vmem>>) dst(%dma_wait3A_271 : memref<50x128xf32, #tpu.memory_space<hbm>>)
        %dma_wait3A_276 = arith.constant 0 : i32
        %dma_wait3A_277 = arith.constant 0 : i32
        %dma_wait3A_278 = arith.constant 56 : i32
        %dma_wait3A_279 = arith.constant 0 : i32
        %dma_wait3A_280 = tpu.memref_slice %arg6[%dma_wait3A_276, %dma_wait3A_278, %dma_wait3A_279] : memref<2x112x128xf32, #tpu.memory_space<vmem>> -> memref<1x50x128xf32, #tpu.memory_space<vmem>>
        %dma_wait3A_281 = tpu.memref_squeeze %dma_wait3A_280 : memref<1x50x128xf32, #tpu.memory_space<vmem>> -> memref<50x128xf32, #tpu.memory_space<vmem>>
        %dma_wait3A_282 = arith.constant 0 : i32
        %dma_wait3A_283 = arith.constant 0 : i32
        %dma_wait3A_284 = tpu.memref_slice %arg4[%add3A_255, %dma_wait3A_282, %dma_wait3A_283] : memref<16384x50x128xf32, #tpu.memory_space<hbm>> -> memref<1x50x128xf32, #tpu.memory_space<hbm>>
        %dma_wait3A_285 = tpu.memref_squeeze %dma_wait3A_284 : memref<1x50x128xf32, #tpu.memory_space<hbm>> -> memref<50x128xf32, #tpu.memory_space<hbm>>
        %dma_wait3A_286 = tpu.memref_slice %arg8[%dma_wait3A_277] : memref<2x!tpu.dma_semaphore, #tpu.memory_space<semaphore_mem>> -> memref<1x!tpu.dma_semaphore, #tpu.memory_space<semaphore_mem>>
        %dma_wait3A_287 = tpu.memref_squeeze %dma_wait3A_286 : memref<1x!tpu.dma_semaphore, #tpu.memory_space<semaphore_mem>> -> memref<!tpu.dma_semaphore, #tpu.memory_space<semaphore_mem>>
        %dma_wait3A_288 = arith.constant 0 : i32
        %dma_wait3A_289 = arith.constant 0 : i32
        %dma_wait3A_290 = tpu.memref_slice %arg4[%add3A_255, %dma_wait3A_288, %dma_wait3A_289] : memref<16384x50x128xf32, #tpu.memory_space<hbm>> -> memref<1x50x128xf32, #tpu.memory_space<hbm>>
        %dma_wait3A_291 = tpu.memref_squeeze %dma_wait3A_290 : memref<1x50x128xf32, #tpu.memory_space<hbm>> -> memref<50x128xf32, #tpu.memory_space<hbm>>
        %dma_wait3A_292 = arith.constant 56 : i32
        %dma_wait3A_293 = arith.constant 0 : i32
        %dma_wait3A_294 = tpu.memref_slice %arg6[%dma_wait3A_276, %dma_wait3A_292, %dma_wait3A_293] : memref<2x112x128xf32, #tpu.memory_space<vmem>> -> memref<1x50x128xf32, #tpu.memory_space<vmem>>
        %dma_wait3A_295 = tpu.memref_squeeze %dma_wait3A_294 : memref<1x50x128xf32, #tpu.memory_space<vmem>> -> memref<50x128xf32, #tpu.memory_space<vmem>>
        tpu.wait_dma2 semaphore(%dma_wait3A_287 : memref<!tpu.dma_semaphore, #tpu.memory_space<semaphore_mem>>) src(%dma_wait3A_295 : memref<50x128xf32, #tpu.memory_space<vmem>>) dst(%dma_wait3A_291 : memref<50x128xf32, #tpu.memory_space<hbm>>)
        %add3A_296 = arith.constant 2 : i32
        %add3A_297 = arith.addi %add3A_250, %add3A_296 : i32
        %mul3A_298 = arith.constant 112 : i32
        %mul3A_299 = arith.muli %add3A_297, %mul3A_298 : i32
        %dma_start3A_300 = arith.constant 0 : i32
        %dma_start3A_301 = arith.constant 0 : i32
        %dma_start3A_302 = arith.constant 0 : i32
        %dma_start3A_303 = arith.constant 0 : i32
        %dma_start3A_304 = tpu.memref_slice %arg6[%dma_start3A_300, %dma_start3A_302, %dma_start3A_303] : memref<2x112x128xf32, #tpu.memory_space<vmem>> -> memref<1x112x128xf32, #tpu.memory_space<vmem>>
        %dma_start3A_305 = tpu.memref_squeeze %dma_start3A_304 : memref<1x112x128xf32, #tpu.memory_space<vmem>> -> memref<112x128xf32, #tpu.memory_space<vmem>>
        %dma_start3A_306 = tpu.memref_slice %arg5[%mul3A_299] : memref<28672xi32, #tpu.memory_space<vmem>> -> memref<112xi32, #tpu.memory_space<vmem>>
        %dma_start3A_307 = arith.constant 0 : i32
        %dma_start3A_308 = arith.constant 0 : i32
        %dma_start3A_309 = tpu.memref_slice %arg3[%dma_start3A_307, %dma_start3A_308] : memref<100000x128xf32, #tpu.memory_space<hbm>> -> memref<100000x128xf32, #tpu.memory_space<hbm>>
        %dma_start3A_310 = tpu.memref_slice %arg7[%dma_start3A_301] : memref<2x!tpu.dma_semaphore, #tpu.memory_space<semaphore_mem>> -> memref<1x!tpu.dma_semaphore, #tpu.memory_space<semaphore_mem>>
        %dma_start3A_311 = tpu.memref_squeeze %dma_start3A_310 : memref<1x!tpu.dma_semaphore, #tpu.memory_space<semaphore_mem>> -> memref<!tpu.dma_semaphore, #tpu.memory_space<semaphore_mem>>
        tpu.enqueue_indirect_dma source(%dma_start3A_309 : memref<100000x128xf32, #tpu.memory_space<hbm>>) target(%dma_start3A_305 : memref<112x128xf32, #tpu.memory_space<vmem>>) offsets(%dma_start3A_306 : memref<112xi32, #tpu.memory_space<vmem>>) semaphore(%dma_start3A_311 : memref<!tpu.dma_semaphore, #tpu.memory_space<semaphore_mem>>)
        %add3A_312 = arith.constant 1 : i32
        %add3A_313 = arith.addi %mul3A_124, %add3A_312 : i32
        %mul3A_314 = arith.constant 2 : i32
        %mul3A_315 = arith.muli %mul3A_314, %add3A_313 : i32
        %add3A_316 = arith.addi %mul3A_2, %mul3A_315 : i32
        %add3A_317 = arith.constant 1 : i32
        %add3A_318 = arith.addi %add3A_316, %add3A_317 : i32
        %dma_wait3A_319 = arith.constant 1 : i32
        %dma_wait3A_320 = arith.constant 1 : i32
        %dma_wait3A_321 = arith.constant 0 : i32
        %dma_wait3A_322 = arith.constant 0 : i32
        %dma_wait3A_323 = tpu.memref_slice %arg6[%dma_wait3A_319, %dma_wait3A_321, %dma_wait3A_322] : memref<2x112x128xf32, #tpu.memory_space<vmem>> -> memref<1x50x128xf32, #tpu.memory_space<vmem>>
        %dma_wait3A_324 = tpu.memref_squeeze %dma_wait3A_323 : memref<1x50x128xf32, #tpu.memory_space<vmem>> -> memref<50x128xf32, #tpu.memory_space<vmem>>
        %dma_wait3A_325 = arith.constant 0 : i32
        %dma_wait3A_326 = arith.constant 0 : i32
        %dma_wait3A_327 = tpu.memref_slice %arg4[%add3A_316, %dma_wait3A_325, %dma_wait3A_326] : memref<16384x50x128xf32, #tpu.memory_space<hbm>> -> memref<1x50x128xf32, #tpu.memory_space<hbm>>
        %dma_wait3A_328 = tpu.memref_squeeze %dma_wait3A_327 : memref<1x50x128xf32, #tpu.memory_space<hbm>> -> memref<50x128xf32, #tpu.memory_space<hbm>>
        %dma_wait3A_329 = tpu.memref_slice %arg8[%dma_wait3A_320] : memref<2x!tpu.dma_semaphore, #tpu.memory_space<semaphore_mem>> -> memref<1x!tpu.dma_semaphore, #tpu.memory_space<semaphore_mem>>
        %dma_wait3A_330 = tpu.memref_squeeze %dma_wait3A_329 : memref<1x!tpu.dma_semaphore, #tpu.memory_space<semaphore_mem>> -> memref<!tpu.dma_semaphore, #tpu.memory_space<semaphore_mem>>
        %dma_wait3A_331 = arith.constant 0 : i32
        %dma_wait3A_332 = arith.constant 0 : i32
        %dma_wait3A_333 = tpu.memref_slice %arg4[%add3A_316, %dma_wait3A_331, %dma_wait3A_332] : memref<16384x50x128xf32, #tpu.memory_space<hbm>> -> memref<1x50x128xf32, #tpu.memory_space<hbm>>
        %dma_wait3A_334 = tpu.memref_squeeze %dma_wait3A_333 : memref<1x50x128xf32, #tpu.memory_space<hbm>> -> memref<50x128xf32, #tpu.memory_space<hbm>>
        %dma_wait3A_335 = arith.constant 0 : i32
        %dma_wait3A_336 = arith.constant 0 : i32
        %dma_wait3A_337 = tpu.memref_slice %arg6[%dma_wait3A_319, %dma_wait3A_335, %dma_wait3A_336] : memref<2x112x128xf32, #tpu.memory_space<vmem>> -> memref<1x50x128xf32, #tpu.memory_space<vmem>>
        %dma_wait3A_338 = tpu.memref_squeeze %dma_wait3A_337 : memref<1x50x128xf32, #tpu.memory_space<vmem>> -> memref<50x128xf32, #tpu.memory_space<vmem>>
        tpu.wait_dma2 semaphore(%dma_wait3A_330 : memref<!tpu.dma_semaphore, #tpu.memory_space<semaphore_mem>>) src(%dma_wait3A_338 : memref<50x128xf32, #tpu.memory_space<vmem>>) dst(%dma_wait3A_334 : memref<50x128xf32, #tpu.memory_space<hbm>>)
        %dma_wait3A_339 = arith.constant 1 : i32
        %dma_wait3A_340 = arith.constant 1 : i32
        %dma_wait3A_341 = arith.constant 56 : i32
        %dma_wait3A_342 = arith.constant 0 : i32
        %dma_wait3A_343 = tpu.memref_slice %arg6[%dma_wait3A_339, %dma_wait3A_341, %dma_wait3A_342] : memref<2x112x128xf32, #tpu.memory_space<vmem>> -> memref<1x50x128xf32, #tpu.memory_space<vmem>>
        %dma_wait3A_344 = tpu.memref_squeeze %dma_wait3A_343 : memref<1x50x128xf32, #tpu.memory_space<vmem>> -> memref<50x128xf32, #tpu.memory_space<vmem>>
        %dma_wait3A_345 = arith.constant 0 : i32
        %dma_wait3A_346 = arith.constant 0 : i32
        %dma_wait3A_347 = tpu.memref_slice %arg4[%add3A_318, %dma_wait3A_345, %dma_wait3A_346] : memref<16384x50x128xf32, #tpu.memory_space<hbm>> -> memref<1x50x128xf32, #tpu.memory_space<hbm>>
        %dma_wait3A_348 = tpu.memref_squeeze %dma_wait3A_347 : memref<1x50x128xf32, #tpu.memory_space<hbm>> -> memref<50x128xf32, #tpu.memory_space<hbm>>
        %dma_wait3A_349 = tpu.memref_slice %arg8[%dma_wait3A_340] : memref<2x!tpu.dma_semaphore, #tpu.memory_space<semaphore_mem>> -> memref<1x!tpu.dma_semaphore, #tpu.memory_space<semaphore_mem>>
        %dma_wait3A_350 = tpu.memref_squeeze %dma_wait3A_349 : memref<1x!tpu.dma_semaphore, #tpu.memory_space<semaphore_mem>> -> memref<!tpu.dma_semaphore, #tpu.memory_space<semaphore_mem>>
        %dma_wait3A_351 = arith.constant 0 : i32
        %dma_wait3A_352 = arith.constant 0 : i32
        %dma_wait3A_353 = tpu.memref_slice %arg4[%add3A_318, %dma_wait3A_351, %dma_wait3A_352] : memref<16384x50x128xf32, #tpu.memory_space<hbm>> -> memref<1x50x128xf32, #tpu.memory_space<hbm>>
        %dma_wait3A_354 = tpu.memref_squeeze %dma_wait3A_353 : memref<1x50x128xf32, #tpu.memory_space<hbm>> -> memref<50x128xf32, #tpu.memory_space<hbm>>
        %dma_wait3A_355 = arith.constant 56 : i32
        %dma_wait3A_356 = arith.constant 0 : i32
        %dma_wait3A_357 = tpu.memref_slice %arg6[%dma_wait3A_339, %dma_wait3A_355, %dma_wait3A_356] : memref<2x112x128xf32, #tpu.memory_space<vmem>> -> memref<1x50x128xf32, #tpu.memory_space<vmem>>
        %dma_wait3A_358 = tpu.memref_squeeze %dma_wait3A_357 : memref<1x50x128xf32, #tpu.memory_space<vmem>> -> memref<50x128xf32, #tpu.memory_space<vmem>>
        tpu.wait_dma2 semaphore(%dma_wait3A_350 : memref<!tpu.dma_semaphore, #tpu.memory_space<semaphore_mem>>) src(%dma_wait3A_358 : memref<50x128xf32, #tpu.memory_space<vmem>>) dst(%dma_wait3A_354 : memref<50x128xf32, #tpu.memory_space<hbm>>)
        %add3A_359 = arith.constant 2 : i32
        %add3A_360 = arith.addi %add3A_313, %add3A_359 : i32
        %mul3A_361 = arith.constant 112 : i32
        %mul3A_362 = arith.muli %add3A_360, %mul3A_361 : i32
        %dma_start3A_363 = arith.constant 1 : i32
        %dma_start3A_364 = arith.constant 1 : i32
        %dma_start3A_365 = arith.constant 0 : i32
        %dma_start3A_366 = arith.constant 0 : i32
        %dma_start3A_367 = tpu.memref_slice %arg6[%dma_start3A_363, %dma_start3A_365, %dma_start3A_366] : memref<2x112x128xf32, #tpu.memory_space<vmem>> -> memref<1x112x128xf32, #tpu.memory_space<vmem>>
        %dma_start3A_368 = tpu.memref_squeeze %dma_start3A_367 : memref<1x112x128xf32, #tpu.memory_space<vmem>> -> memref<112x128xf32, #tpu.memory_space<vmem>>
        %dma_start3A_369 = tpu.memref_slice %arg5[%mul3A_362] : memref<28672xi32, #tpu.memory_space<vmem>> -> memref<112xi32, #tpu.memory_space<vmem>>
        %dma_start3A_370 = arith.constant 0 : i32
        %dma_start3A_371 = arith.constant 0 : i32
        %dma_start3A_372 = tpu.memref_slice %arg3[%dma_start3A_370, %dma_start3A_371] : memref<100000x128xf32, #tpu.memory_space<hbm>> -> memref<100000x128xf32, #tpu.memory_space<hbm>>
        %dma_start3A_373 = tpu.memref_slice %arg7[%dma_start3A_364] : memref<2x!tpu.dma_semaphore, #tpu.memory_space<semaphore_mem>> -> memref<1x!tpu.dma_semaphore, #tpu.memory_space<semaphore_mem>>
        %dma_start3A_374 = tpu.memref_squeeze %dma_start3A_373 : memref<1x!tpu.dma_semaphore, #tpu.memory_space<semaphore_mem>> -> memref<!tpu.dma_semaphore, #tpu.memory_space<semaphore_mem>>
        tpu.enqueue_indirect_dma source(%dma_start3A_372 : memref<100000x128xf32, #tpu.memory_space<hbm>>) target(%dma_start3A_368 : memref<112x128xf32, #tpu.memory_space<vmem>>) offsets(%dma_start3A_369 : memref<112xi32, #tpu.memory_space<vmem>>) semaphore(%dma_start3A_374 : memref<!tpu.dma_semaphore, #tpu.memory_space<semaphore_mem>>)
      } else {
      }
    }
    %scan3A_34 = arith.constant 128 : i32
    %add3A_35 = arith.constant 508 : i32
    %add3A_36 = arith.addi %mul3A_2, %add3A_35 : i32
    %add3A_37 = arith.constant 1 : i32
    %add3A_38 = arith.addi %add3A_36, %add3A_37 : i32
    %dma_wait3A = arith.constant 0 : i32
    %dma_wait3A_39 = arith.constant 0 : i32
    %dma_wait3A_40 = arith.constant 0 : i32
    %dma_wait3A_41 = arith.constant 0 : i32
    %dma_wait3A_42 = tpu.memref_slice %arg6[%dma_wait3A, %dma_wait3A_40, %dma_wait3A_41] : memref<2x112x128xf32, #tpu.memory_space<vmem>> -> memref<1x50x128xf32, #tpu.memory_space<vmem>>
    %dma_wait3A_43 = tpu.memref_squeeze %dma_wait3A_42 : memref<1x50x128xf32, #tpu.memory_space<vmem>> -> memref<50x128xf32, #tpu.memory_space<vmem>>
    %dma_wait3A_44 = arith.constant 0 : i32
    %dma_wait3A_45 = arith.constant 0 : i32
    %dma_wait3A_46 = tpu.memref_slice %arg4[%add3A_36, %dma_wait3A_44, %dma_wait3A_45] : memref<16384x50x128xf32, #tpu.memory_space<hbm>> -> memref<1x50x128xf32, #tpu.memory_space<hbm>>
    %dma_wait3A_47 = tpu.memref_squeeze %dma_wait3A_46 : memref<1x50x128xf32, #tpu.memory_space<hbm>> -> memref<50x128xf32, #tpu.memory_space<hbm>>
    %dma_wait3A_48 = tpu.memref_slice %arg8[%dma_wait3A_39] : memref<2x!tpu.dma_semaphore, #tpu.memory_space<semaphore_mem>> -> memref<1x!tpu.dma_semaphore, #tpu.memory_space<semaphore_mem>>
    %dma_wait3A_49 = tpu.memref_squeeze %dma_wait3A_48 : memref<1x!tpu.dma_semaphore, #tpu.memory_space<semaphore_mem>> -> memref<!tpu.dma_semaphore, #tpu.memory_space<semaphore_mem>>
    %dma_wait3A_50 = arith.constant 0 : i32
    %dma_wait3A_51 = arith.constant 0 : i32
    %dma_wait3A_52 = tpu.memref_slice %arg4[%add3A_36, %dma_wait3A_50, %dma_wait3A_51] : memref<16384x50x128xf32, #tpu.memory_space<hbm>> -> memref<1x50x128xf32, #tpu.memory_space<hbm>>
    %dma_wait3A_53 = tpu.memref_squeeze %dma_wait3A_52 : memref<1x50x128xf32, #tpu.memory_space<hbm>> -> memref<50x128xf32, #tpu.memory_space<hbm>>
    %dma_wait3A_54 = arith.constant 0 : i32
    %dma_wait3A_55 = arith.constant 0 : i32
    %dma_wait3A_56 = tpu.memref_slice %arg6[%dma_wait3A, %dma_wait3A_54, %dma_wait3A_55] : memref<2x112x128xf32, #tpu.memory_space<vmem>> -> memref<1x50x128xf32, #tpu.memory_space<vmem>>
    %dma_wait3A_57 = tpu.memref_squeeze %dma_wait3A_56 : memref<1x50x128xf32, #tpu.memory_space<vmem>> -> memref<50x128xf32, #tpu.memory_space<vmem>>
    tpu.wait_dma2 semaphore(%dma_wait3A_49 : memref<!tpu.dma_semaphore, #tpu.memory_space<semaphore_mem>>) src(%dma_wait3A_57 : memref<50x128xf32, #tpu.memory_space<vmem>>) dst(%dma_wait3A_53 : memref<50x128xf32, #tpu.memory_space<hbm>>)
    %dma_wait3A_58 = arith.constant 0 : i32
    %dma_wait3A_59 = arith.constant 0 : i32
    %dma_wait3A_60 = arith.constant 56 : i32
    %dma_wait3A_61 = arith.constant 0 : i32
    %dma_wait3A_62 = tpu.memref_slice %arg6[%dma_wait3A_58, %dma_wait3A_60, %dma_wait3A_61] : memref<2x112x128xf32, #tpu.memory_space<vmem>> -> memref<1x50x128xf32, #tpu.memory_space<vmem>>
    %dma_wait3A_63 = tpu.memref_squeeze %dma_wait3A_62 : memref<1x50x128xf32, #tpu.memory_space<vmem>> -> memref<50x128xf32, #tpu.memory_space<vmem>>
    %dma_wait3A_64 = arith.constant 0 : i32
    %dma_wait3A_65 = arith.constant 0 : i32
    %dma_wait3A_66 = tpu.memref_slice %arg4[%add3A_38, %dma_wait3A_64, %dma_wait3A_65] : memref<16384x50x128xf32, #tpu.memory_space<hbm>> -> memref<1x50x128xf32, #tpu.memory_space<hbm>>
    %dma_wait3A_67 = tpu.memref_squeeze %dma_wait3A_66 : memref<1x50x128xf32, #tpu.memory_space<hbm>> -> memref<50x128xf32, #tpu.memory_space<hbm>>
    %dma_wait3A_68 = tpu.memref_slice %arg8[%dma_wait3A_59] : memref<2x!tpu.dma_semaphore, #tpu.memory_space<semaphore_mem>> -> memref<1x!tpu.dma_semaphore, #tpu.memory_space<semaphore_mem>>
    %dma_wait3A_69 = tpu.memref_squeeze %dma_wait3A_68 : memref<1x!tpu.dma_semaphore, #tpu.memory_space<semaphore_mem>> -> memref<!tpu.dma_semaphore, #tpu.memory_space<semaphore_mem>>
    %dma_wait3A_70 = arith.constant 0 : i32
    %dma_wait3A_71 = arith.constant 0 : i32
    %dma_wait3A_72 = tpu.memref_slice %arg4[%add3A_38, %dma_wait3A_70, %dma_wait3A_71] : memref<16384x50x128xf32, #tpu.memory_space<hbm>> -> memref<1x50x128xf32, #tpu.memory_space<hbm>>
    %dma_wait3A_73 = tpu.memref_squeeze %dma_wait3A_72 : memref<1x50x128xf32, #tpu.memory_space<hbm>> -> memref<50x128xf32, #tpu.memory_space<hbm>>
    %dma_wait3A_74 = arith.constant 56 : i32
    %dma_wait3A_75 = arith.constant 0 : i32
    %dma_wait3A_76 = tpu.memref_slice %arg6[%dma_wait3A_58, %dma_wait3A_74, %dma_wait3A_75] : memref<2x112x128xf32, #tpu.memory_space<vmem>> -> memref<1x50x128xf32, #tpu.memory_space<vmem>>
    %dma_wait3A_77 = tpu.memref_squeeze %dma_wait3A_76 : memref<1x50x128xf32, #tpu.memory_space<vmem>> -> memref<50x128xf32, #tpu.memory_space<vmem>>
    tpu.wait_dma2 semaphore(%dma_wait3A_69 : memref<!tpu.dma_semaphore, #tpu.memory_space<semaphore_mem>>) src(%dma_wait3A_77 : memref<50x128xf32, #tpu.memory_space<vmem>>) dst(%dma_wait3A_73 : memref<50x128xf32, #tpu.memory_space<hbm>>)
    %add3A_78 = arith.constant 510 : i32
    %add3A_79 = arith.addi %mul3A_2, %add3A_78 : i32
    %add3A_80 = arith.constant 1 : i32
    %add3A_81 = arith.addi %add3A_79, %add3A_80 : i32
    %dma_wait3A_82 = arith.constant 1 : i32
    %dma_wait3A_83 = arith.constant 1 : i32
    %dma_wait3A_84 = arith.constant 0 : i32
    %dma_wait3A_85 = arith.constant 0 : i32
    %dma_wait3A_86 = tpu.memref_slice %arg6[%dma_wait3A_82, %dma_wait3A_84, %dma_wait3A_85] : memref<2x112x128xf32, #tpu.memory_space<vmem>> -> memref<1x50x128xf32, #tpu.memory_space<vmem>>
    %dma_wait3A_87 = tpu.memref_squeeze %dma_wait3A_86 : memref<1x50x128xf32, #tpu.memory_space<vmem>> -> memref<50x128xf32, #tpu.memory_space<vmem>>
    %dma_wait3A_88 = arith.constant 0 : i32
    %dma_wait3A_89 = arith.constant 0 : i32
    %dma_wait3A_90 = tpu.memref_slice %arg4[%add3A_79, %dma_wait3A_88, %dma_wait3A_89] : memref<16384x50x128xf32, #tpu.memory_space<hbm>> -> memref<1x50x128xf32, #tpu.memory_space<hbm>>
    %dma_wait3A_91 = tpu.memref_squeeze %dma_wait3A_90 : memref<1x50x128xf32, #tpu.memory_space<hbm>> -> memref<50x128xf32, #tpu.memory_space<hbm>>
    %dma_wait3A_92 = tpu.memref_slice %arg8[%dma_wait3A_83] : memref<2x!tpu.dma_semaphore, #tpu.memory_space<semaphore_mem>> -> memref<1x!tpu.dma_semaphore, #tpu.memory_space<semaphore_mem>>
    %dma_wait3A_93 = tpu.memref_squeeze %dma_wait3A_92 : memref<1x!tpu.dma_semaphore, #tpu.memory_space<semaphore_mem>> -> memref<!tpu.dma_semaphore, #tpu.memory_space<semaphore_mem>>
    %dma_wait3A_94 = arith.constant 0 : i32
    %dma_wait3A_95 = arith.constant 0 : i32
    %dma_wait3A_96 = tpu.memref_slice %arg4[%add3A_79, %dma_wait3A_94, %dma_wait3A_95] : memref<16384x50x128xf32, #tpu.memory_space<hbm>> -> memref<1x50x128xf32, #tpu.memory_space<hbm>>
    %dma_wait3A_97 = tpu.memref_squeeze %dma_wait3A_96 : memref<1x50x128xf32, #tpu.memory_space<hbm>> -> memref<50x128xf32, #tpu.memory_space<hbm>>
    %dma_wait3A_98 = arith.constant 0 : i32
    %dma_wait3A_99 = arith.constant 0 : i32
    %dma_wait3A_100 = tpu.memref_slice %arg6[%dma_wait3A_82, %dma_wait3A_98, %dma_wait3A_99] : memref<2x112x128xf32, #tpu.memory_space<vmem>> -> memref<1x50x128xf32, #tpu.memory_space<vmem>>
    %dma_wait3A_101 = tpu.memref_squeeze %dma_wait3A_100 : memref<1x50x128xf32, #tpu.memory_space<vmem>> -> memref<50x128xf32, #tpu.memory_space<vmem>>
    tpu.wait_dma2 semaphore(%dma_wait3A_93 : memref<!tpu.dma_semaphore, #tpu.memory_space<semaphore_mem>>) src(%dma_wait3A_101 : memref<50x128xf32, #tpu.memory_space<vmem>>) dst(%dma_wait3A_97 : memref<50x128xf32, #tpu.memory_space<hbm>>)
    %dma_wait3A_102 = arith.constant 1 : i32
    %dma_wait3A_103 = arith.constant 1 : i32
    %dma_wait3A_104 = arith.constant 56 : i32
    %dma_wait3A_105 = arith.constant 0 : i32
    %dma_wait3A_106 = tpu.memref_slice %arg6[%dma_wait3A_102, %dma_wait3A_104, %dma_wait3A_105] : memref<2x112x128xf32, #tpu.memory_space<vmem>> -> memref<1x50x128xf32, #tpu.memory_space<vmem>>
    %dma_wait3A_107 = tpu.memref_squeeze %dma_wait3A_106 : memref<1x50x128xf32, #tpu.memory_space<vmem>> -> memref<50x128xf32, #tpu.memory_space<vmem>>
    %dma_wait3A_108 = arith.constant 0 : i32
    %dma_wait3A_109 = arith.constant 0 : i32
    %dma_wait3A_110 = tpu.memref_slice %arg4[%add3A_81, %dma_wait3A_108, %dma_wait3A_109] : memref<16384x50x128xf32, #tpu.memory_space<hbm>> -> memref<1x50x128xf32, #tpu.memory_space<hbm>>
    %dma_wait3A_111 = tpu.memref_squeeze %dma_wait3A_110 : memref<1x50x128xf32, #tpu.memory_space<hbm>> -> memref<50x128xf32, #tpu.memory_space<hbm>>
    %dma_wait3A_112 = tpu.memref_slice %arg8[%dma_wait3A_103] : memref<2x!tpu.dma_semaphore, #tpu.memory_space<semaphore_mem>> -> memref<1x!tpu.dma_semaphore, #tpu.memory_space<semaphore_mem>>
    %dma_wait3A_113 = tpu.memref_squeeze %dma_wait3A_112 : memref<1x!tpu.dma_semaphore, #tpu.memory_space<semaphore_mem>> -> memref<!tpu.dma_semaphore, #tpu.memory_space<semaphore_mem>>
    %dma_wait3A_114 = arith.constant 0 : i32
    %dma_wait3A_115 = arith.constant 0 : i32
    %dma_wait3A_116 = tpu.memref_slice %arg4[%add3A_81, %dma_wait3A_114, %dma_wait3A_115] : memref<16384x50x128xf32, #tpu.memory_space<hbm>> -> memref<1x50x128xf32, #tpu.memory_space<hbm>>
    %dma_wait3A_117 = tpu.memref_squeeze %dma_wait3A_116 : memref<1x50x128xf32, #tpu.memory_space<hbm>> -> memref<50x128xf32, #tpu.memory_space<hbm>>
    %dma_wait3A_118 = arith.constant 56 : i32
    %dma_wait3A_119 = arith.constant 0 : i32
    %dma_wait3A_120 = tpu.memref_slice %arg6[%dma_wait3A_102, %dma_wait3A_118, %dma_wait3A_119] : memref<2x112x128xf32, #tpu.memory_space<vmem>> -> memref<1x50x128xf32, #tpu.memory_space<vmem>>
    %dma_wait3A_121 = tpu.memref_squeeze %dma_wait3A_120 : memref<1x50x128xf32, #tpu.memory_space<vmem>> -> memref<50x128xf32, #tpu.memory_space<vmem>>
    tpu.wait_dma2 semaphore(%dma_wait3A_113 : memref<!tpu.dma_semaphore, #tpu.memory_space<semaphore_mem>>) src(%dma_wait3A_121 : memref<50x128xf32, #tpu.memory_space<vmem>>) dst(%dma_wait3A_117 : memref<50x128xf32, #tpu.memory_space<hbm>>)
    return
  }
}

#map = affine_map<(d0, d1) -> (0)>
#map1 = affine_map<(d0, d1) -> (0, 0)>
#map2 = affine_map<(d0, d1) -> (0, 0, 0)>
module attributes {stable_mosaic.version = 14 : i64} {
  func.func @_emb_body(%arg0: i32, %arg1: i32, %arg2: memref<917504xi32, #tpu.memory_space<hbm>>, %arg3: memref<100000x128xf32, #tpu.memory_space<hbm>>, %arg4: memref<16384x50x128xf32, #tpu.memory_space<hbm>>, %arg5: memref<28672xi32, #tpu.memory_space<vmem>>, %arg6: memref<2x112x128xf32, #tpu.memory_space<vmem>>, %arg7: memref<2x!tpu.dma_semaphore, #tpu.memory_space<semaphore_mem>>, %arg8: memref<2x!tpu.dma_semaphore, #tpu.memory_space<semaphore_mem>>) attributes {dimension_semantics = [#tpu.dimension_semantics<core_parallel>, #tpu.dimension_semantics<subcore_parallel>], iteration_bounds = array<i64: 2, 16>, scalar_prefetch = 0 : i64, scratch_operands = 4 : i64, tpu.core_type = #tpu.core_type<sc_vector_subcore>, window_params = [{transform_indices = #map}, {transform_indices = #map1}, {transform_indices = #map2}]} {
    %mul3A = arith.constant 2 : i32
    %mul3A_0 = arith.muli %arg1, %mul3A : i32
    %add3A = arith.addi %mul3A_0, %arg0 : i32
    %mul3A_1 = arith.constant 512 : i32
    %mul3A_2 = arith.muli %add3A, %mul3A_1 : i32
    %mul3A_3 = arith.constant 28672 : i32
    %mul3A_4 = arith.muli %add3A, %mul3A_3 : i32
    "tpu.region"() ({
      %run_scoped3A = tpu.sem_alloc : memref<!tpu.dma_semaphore, #tpu.memory_space<semaphore_mem>>
      %dma_start3A_122 = tpu.memref_slice %arg2[%mul3A_4] : memref<917504xi32, #tpu.memory_space<hbm>> -> memref<28672xi32, #tpu.memory_space<hbm>>
      %dma_start3A_123 = tpu.memref_slice %arg2[%mul3A_4] : memref<917504xi32, #tpu.memory_space<hbm>> -> memref<28672xi32, #tpu.memory_space<hbm>>
      tpu.enqueue_dma source(%dma_start3A_123 : memref<28672xi32, #tpu.memory_space<hbm>>) target(%arg5 : memref<28672xi32, #tpu.memory_space<vmem>>) target_semaphore(%run_scoped3A : memref<!tpu.dma_semaphore, #tpu.memory_space<semaphore_mem>>)
      %dma_wait3A_124 = tpu.memref_slice %arg2[%mul3A_4] : memref<917504xi32, #tpu.memory_space<hbm>> -> memref<28672xi32, #tpu.memory_space<hbm>>
      %dma_wait3A_125 = tpu.memref_slice %arg2[%mul3A_4] : memref<917504xi32, #tpu.memory_space<hbm>> -> memref<28672xi32, #tpu.memory_space<hbm>>
      tpu.wait_dma2 semaphore(%run_scoped3A : memref<!tpu.dma_semaphore, #tpu.memory_space<semaphore_mem>>) src(%dma_wait3A_125 : memref<28672xi32, #tpu.memory_space<hbm>>) dst(%arg5 : memref<28672xi32, #tpu.memory_space<vmem>>)
      tpu.yield
    }) : () -> ()
    %dma_start3A = arith.constant 0 : i32
    %dma_start3A_5 = arith.constant 0 : i32
    %dma_start3A_6 = arith.constant 0 : i32
    %dma_start3A_7 = arith.constant 0 : i32
    %dma_start3A_8 = tpu.memref_slice %arg6[%dma_start3A, %dma_start3A_6, %dma_start3A_7] : memref<2x112x128xf32, #tpu.memory_space<vmem>> -> memref<1x112x128xf32, #tpu.memory_space<vmem>>
    %dma_start3A_9 = tpu.memref_squeeze %dma_start3A_8 : memref<1x112x128xf32, #tpu.memory_space<vmem>> -> memref<112x128xf32, #tpu.memory_space<vmem>>
    %dma_start3A_10 = arith.constant 0 : i32
    %dma_start3A_11 = tpu.memref_slice %arg5[%dma_start3A_10] : memref<28672xi32, #tpu.memory_space<vmem>> -> memref<112xi32, #tpu.memory_space<vmem>>
    %dma_start3A_12 = arith.constant 0 : i32
    %dma_start3A_13 = arith.constant 0 : i32
    %dma_start3A_14 = tpu.memref_slice %arg3[%dma_start3A_12, %dma_start3A_13] : memref<100000x128xf32, #tpu.memory_space<hbm>> -> memref<100000x128xf32, #tpu.memory_space<hbm>>
    %dma_start3A_15 = tpu.memref_slice %arg7[%dma_start3A_5] : memref<2x!tpu.dma_semaphore, #tpu.memory_space<semaphore_mem>> -> memref<1x!tpu.dma_semaphore, #tpu.memory_space<semaphore_mem>>
    %dma_start3A_16 = tpu.memref_squeeze %dma_start3A_15 : memref<1x!tpu.dma_semaphore, #tpu.memory_space<semaphore_mem>> -> memref<!tpu.dma_semaphore, #tpu.memory_space<semaphore_mem>>
    tpu.enqueue_indirect_dma source(%dma_start3A_14 : memref<100000x128xf32, #tpu.memory_space<hbm>>) target(%dma_start3A_9 : memref<112x128xf32, #tpu.memory_space<vmem>>) offsets(%dma_start3A_11 : memref<112xi32, #tpu.memory_space<vmem>>) semaphore(%dma_start3A_16 : memref<!tpu.dma_semaphore, #tpu.memory_space<semaphore_mem>>)
    %dma_start3A_17 = arith.constant 1 : i32
    %dma_start3A_18 = arith.constant 1 : i32
    %dma_start3A_19 = arith.constant 0 : i32
    %dma_start3A_20 = arith.constant 0 : i32
    %dma_start3A_21 = tpu.memref_slice %arg6[%dma_start3A_17, %dma_start3A_19, %dma_start3A_20] : memref<2x112x128xf32, #tpu.memory_space<vmem>> -> memref<1x112x128xf32, #tpu.memory_space<vmem>>
    %dma_start3A_22 = tpu.memref_squeeze %dma_start3A_21 : memref<1x112x128xf32, #tpu.memory_space<vmem>> -> memref<112x128xf32, #tpu.memory_space<vmem>>
    %dma_start3A_23 = arith.constant 112 : i32
    %dma_start3A_24 = tpu.memref_slice %arg5[%dma_start3A_23] : memref<28672xi32, #tpu.memory_space<vmem>> -> memref<112xi32, #tpu.memory_space<vmem>>
    %dma_start3A_25 = arith.constant 0 : i32
    %dma_start3A_26 = arith.constant 0 : i32
    %dma_start3A_27 = tpu.memref_slice %arg3[%dma_start3A_25, %dma_start3A_26] : memref<100000x128xf32, #tpu.memory_space<hbm>> -> memref<100000x128xf32, #tpu.memory_space<hbm>>
    %dma_start3A_28 = tpu.memref_slice %arg7[%dma_start3A_18] : memref<2x!tpu.dma_semaphore, #tpu.memory_space<semaphore_mem>> -> memref<1x!tpu.dma_semaphore, #tpu.memory_space<semaphore_mem>>
    %dma_start3A_29 = tpu.memref_squeeze %dma_start3A_28 : memref<1x!tpu.dma_semaphore, #tpu.memory_space<semaphore_mem>> -> memref<!tpu.dma_semaphore, #tpu.memory_space<semaphore_mem>>
    tpu.enqueue_indirect_dma source(%dma_start3A_27 : memref<100000x128xf32, #tpu.memory_space<hbm>>) target(%dma_start3A_22 : memref<112x128xf32, #tpu.memory_space<vmem>>) offsets(%dma_start3A_24 : memref<112xi32, #tpu.memory_space<vmem>>) semaphore(%dma_start3A_29 : memref<!tpu.dma_semaphore, #tpu.memory_space<semaphore_mem>>)
    %scan3A = arith.constant 0 : i32
    %scan3A_30 = arith.constant 0 : i32
    %scan3A_31 = arith.constant 128 : i32
    %scan3A_32 = arith.addi %scan3A_30, %scan3A_31 : i32
    %scan3A_33 = arith.constant 1 : i32
    scf.for %scan3A_122 = %scan3A_30 to %scan3A_32 step %scan3A_33  : i32 {
      %mul3A_123 = arith.constant 2 : i32
      %mul3A_124 = arith.muli %scan3A_122, %mul3A_123 : i32
      %add3A_125 = arith.constant 0 : i32
      %add3A_126 = arith.addi %mul3A_124, %add3A_125 : i32
      %mul3A_127 = arith.constant 112 : i32
      %mul3A_128 = arith.muli %add3A_126, %mul3A_127 : i32
      %dma_wait3A_129 = arith.constant 0 : i32
      %dma_wait3A_130 = arith.constant 0 : i32
      %dma_wait3A_131 = arith.constant 0 : i32
      %dma_wait3A_132 = arith.constant 0 : i32
      %dma_wait3A_133 = tpu.memref_slice %arg6[%dma_wait3A_129, %dma_wait3A_131, %dma_wait3A_132] : memref<2x112x128xf32, #tpu.memory_space<vmem>> -> memref<1x112x128xf32, #tpu.memory_space<vmem>>
      %dma_wait3A_134 = tpu.memref_squeeze %dma_wait3A_133 : memref<1x112x128xf32, #tpu.memory_space<vmem>> -> memref<112x128xf32, #tpu.memory_space<vmem>>
      %dma_wait3A_135 = tpu.memref_slice %arg5[%mul3A_128] : memref<28672xi32, #tpu.memory_space<vmem>> -> memref<112xi32, #tpu.memory_space<vmem>>
      %dma_wait3A_136 = arith.constant 0 : i32
      %dma_wait3A_137 = arith.constant 0 : i32
      %dma_wait3A_138 = tpu.memref_slice %arg3[%dma_wait3A_136, %dma_wait3A_137] : memref<100000x128xf32, #tpu.memory_space<hbm>> -> memref<100000x128xf32, #tpu.memory_space<hbm>>
      %dma_wait3A_139 = tpu.memref_slice %arg7[%dma_wait3A_130] : memref<2x!tpu.dma_semaphore, #tpu.memory_space<semaphore_mem>> -> memref<1x!tpu.dma_semaphore, #tpu.memory_space<semaphore_mem>>
      %dma_wait3A_140 = tpu.memref_squeeze %dma_wait3A_139 : memref<1x!tpu.dma_semaphore, #tpu.memory_space<semaphore_mem>> -> memref<!tpu.dma_semaphore, #tpu.memory_space<semaphore_mem>>
      tpu.wait_indirect_dma semaphore(%dma_wait3A_140 : memref<!tpu.dma_semaphore, #tpu.memory_space<semaphore_mem>>) src(%dma_wait3A_138 : memref<100000x128xf32, #tpu.memory_space<hbm>>) dst(%dma_wait3A_134 : memref<112x128xf32, #tpu.memory_space<vmem>>)
      %mul3A_141 = arith.constant 2 : i32
      %mul3A_142 = arith.muli %mul3A_141, %add3A_126 : i32
      %add3A_143 = arith.addi %mul3A_2, %mul3A_142 : i32
      %add3A_144 = arith.constant 1 : i32
      %add3A_145 = arith.addi %add3A_143, %add3A_144 : i32
      %dma_start3A_146 = arith.constant 0 : i32
      %dma_start3A_147 = arith.constant 0 : i32
      %dma_start3A_148 = arith.constant 0 : i32
      %dma_start3A_149 = arith.constant 0 : i32
      %dma_start3A_150 = tpu.memref_slice %arg6[%dma_start3A_146, %dma_start3A_148, %dma_start3A_149] : memref<2x112x128xf32, #tpu.memory_space<vmem>> -> memref<1x50x128xf32, #tpu.memory_space<vmem>>
      %dma_start3A_151 = tpu.memref_squeeze %dma_start3A_150 : memref<1x50x128xf32, #tpu.memory_space<vmem>> -> memref<50x128xf32, #tpu.memory_space<vmem>>
      %dma_start3A_152 = arith.constant 0 : i32
      %dma_start3A_153 = arith.constant 0 : i32
      %dma_start3A_154 = tpu.memref_slice %arg4[%add3A_143, %dma_start3A_152, %dma_start3A_153] : memref<16384x50x128xf32, #tpu.memory_space<hbm>> -> memref<1x50x128xf32, #tpu.memory_space<hbm>>
      %dma_start3A_155 = tpu.memref_squeeze %dma_start3A_154 : memref<1x50x128xf32, #tpu.memory_space<hbm>> -> memref<50x128xf32, #tpu.memory_space<hbm>>
      %dma_start3A_156 = tpu.memref_slice %arg8[%dma_start3A_147] : memref<2x!tpu.dma_semaphore, #tpu.memory_space<semaphore_mem>> -> memref<1x!tpu.dma_semaphore, #tpu.memory_space<semaphore_mem>>
      %dma_start3A_157 = tpu.memref_squeeze %dma_start3A_156 : memref<1x!tpu.dma_semaphore, #tpu.memory_space<semaphore_mem>> -> memref<!tpu.dma_semaphore, #tpu.memory_space<semaphore_mem>>
      %dma_start3A_158 = arith.constant 0 : i32
      %dma_start3A_159 = arith.constant 0 : i32
      %dma_start3A_160 = tpu.memref_slice %arg4[%add3A_143, %dma_start3A_158, %dma_start3A_159] : memref<16384x50x128xf32, #tpu.memory_space<hbm>> -> memref<1x50x128xf32, #tpu.memory_space<hbm>>
      %dma_start3A_161 = tpu.memref_squeeze %dma_start3A_160 : memref<1x50x128xf32, #tpu.memory_space<hbm>> -> memref<50x128xf32, #tpu.memory_space<hbm>>
      %dma_start3A_162 = arith.constant 0 : i32
      %dma_start3A_163 = arith.constant 0 : i32
      %dma_start3A_164 = tpu.memref_slice %arg6[%dma_start3A_146, %dma_start3A_162, %dma_start3A_163] : memref<2x112x128xf32, #tpu.memory_space<vmem>> -> memref<1x50x128xf32, #tpu.memory_space<vmem>>
      %dma_start3A_165 = tpu.memref_squeeze %dma_start3A_164 : memref<1x50x128xf32, #tpu.memory_space<vmem>> -> memref<50x128xf32, #tpu.memory_space<vmem>>
      tpu.enqueue_dma source(%dma_start3A_165 : memref<50x128xf32, #tpu.memory_space<vmem>>) target(%dma_start3A_161 : memref<50x128xf32, #tpu.memory_space<hbm>>) target_semaphore(%dma_start3A_157 : memref<!tpu.dma_semaphore, #tpu.memory_space<semaphore_mem>>)
      %dma_start3A_166 = arith.constant 0 : i32
      %dma_start3A_167 = arith.constant 0 : i32
      %dma_start3A_168 = arith.constant 56 : i32
      %dma_start3A_169 = arith.constant 0 : i32
      %dma_start3A_170 = tpu.memref_slice %arg6[%dma_start3A_166, %dma_start3A_168, %dma_start3A_169] : memref<2x112x128xf32, #tpu.memory_space<vmem>> -> memref<1x50x128xf32, #tpu.memory_space<vmem>>
      %dma_start3A_171 = tpu.memref_squeeze %dma_start3A_170 : memref<1x50x128xf32, #tpu.memory_space<vmem>> -> memref<50x128xf32, #tpu.memory_space<vmem>>
      %dma_start3A_172 = arith.constant 0 : i32
      %dma_start3A_173 = arith.constant 0 : i32
      %dma_start3A_174 = tpu.memref_slice %arg4[%add3A_145, %dma_start3A_172, %dma_start3A_173] : memref<16384x50x128xf32, #tpu.memory_space<hbm>> -> memref<1x50x128xf32, #tpu.memory_space<hbm>>
      %dma_start3A_175 = tpu.memref_squeeze %dma_start3A_174 : memref<1x50x128xf32, #tpu.memory_space<hbm>> -> memref<50x128xf32, #tpu.memory_space<hbm>>
      %dma_start3A_176 = tpu.memref_slice %arg8[%dma_start3A_167] : memref<2x!tpu.dma_semaphore, #tpu.memory_space<semaphore_mem>> -> memref<1x!tpu.dma_semaphore, #tpu.memory_space<semaphore_mem>>
      %dma_start3A_177 = tpu.memref_squeeze %dma_start3A_176 : memref<1x!tpu.dma_semaphore, #tpu.memory_space<semaphore_mem>> -> memref<!tpu.dma_semaphore, #tpu.memory_space<semaphore_mem>>
      %dma_start3A_178 = arith.constant 0 : i32
      %dma_start3A_179 = arith.constant 0 : i32
      %dma_start3A_180 = tpu.memref_slice %arg4[%add3A_145, %dma_start3A_178, %dma_start3A_179] : memref<16384x50x128xf32, #tpu.memory_space<hbm>> -> memref<1x50x128xf32, #tpu.memory_space<hbm>>
      %dma_start3A_181 = tpu.memref_squeeze %dma_start3A_180 : memref<1x50x128xf32, #tpu.memory_space<hbm>> -> memref<50x128xf32, #tpu.memory_space<hbm>>
      %dma_start3A_182 = arith.constant 56 : i32
      %dma_start3A_183 = arith.constant 0 : i32
      %dma_start3A_184 = tpu.memref_slice %arg6[%dma_start3A_166, %dma_start3A_182, %dma_start3A_183] : memref<2x112x128xf32, #tpu.memory_space<vmem>> -> memref<1x50x128xf32, #tpu.memory_space<vmem>>
      %dma_start3A_185 = tpu.memref_squeeze %dma_start3A_184 : memref<1x50x128xf32, #tpu.memory_space<vmem>> -> memref<50x128xf32, #tpu.memory_space<vmem>>
      tpu.enqueue_dma source(%dma_start3A_185 : memref<50x128xf32, #tpu.memory_space<vmem>>) target(%dma_start3A_181 : memref<50x128xf32, #tpu.memory_space<hbm>>) target_semaphore(%dma_start3A_177 : memref<!tpu.dma_semaphore, #tpu.memory_space<semaphore_mem>>)
      %add3A_186 = arith.constant 1 : i32
      %add3A_187 = arith.addi %mul3A_124, %add3A_186 : i32
      %mul3A_188 = arith.constant 112 : i32
      %mul3A_189 = arith.muli %add3A_187, %mul3A_188 : i32
      %dma_wait3A_190 = arith.constant 1 : i32
      %dma_wait3A_191 = arith.constant 1 : i32
      %dma_wait3A_192 = arith.constant 0 : i32
      %dma_wait3A_193 = arith.constant 0 : i32
      %dma_wait3A_194 = tpu.memref_slice %arg6[%dma_wait3A_190, %dma_wait3A_192, %dma_wait3A_193] : memref<2x112x128xf32, #tpu.memory_space<vmem>> -> memref<1x112x128xf32, #tpu.memory_space<vmem>>
      %dma_wait3A_195 = tpu.memref_squeeze %dma_wait3A_194 : memref<1x112x128xf32, #tpu.memory_space<vmem>> -> memref<112x128xf32, #tpu.memory_space<vmem>>
      %dma_wait3A_196 = tpu.memref_slice %arg5[%mul3A_189] : memref<28672xi32, #tpu.memory_space<vmem>> -> memref<112xi32, #tpu.memory_space<vmem>>
      %dma_wait3A_197 = arith.constant 0 : i32
      %dma_wait3A_198 = arith.constant 0 : i32
      %dma_wait3A_199 = tpu.memref_slice %arg3[%dma_wait3A_197, %dma_wait3A_198] : memref<100000x128xf32, #tpu.memory_space<hbm>> -> memref<100000x128xf32, #tpu.memory_space<hbm>>
      %dma_wait3A_200 = tpu.memref_slice %arg7[%dma_wait3A_191] : memref<2x!tpu.dma_semaphore, #tpu.memory_space<semaphore_mem>> -> memref<1x!tpu.dma_semaphore, #tpu.memory_space<semaphore_mem>>
      %dma_wait3A_201 = tpu.memref_squeeze %dma_wait3A_200 : memref<1x!tpu.dma_semaphore, #tpu.memory_space<semaphore_mem>> -> memref<!tpu.dma_semaphore, #tpu.memory_space<semaphore_mem>>
      tpu.wait_indirect_dma semaphore(%dma_wait3A_201 : memref<!tpu.dma_semaphore, #tpu.memory_space<semaphore_mem>>) src(%dma_wait3A_199 : memref<100000x128xf32, #tpu.memory_space<hbm>>) dst(%dma_wait3A_195 : memref<112x128xf32, #tpu.memory_space<vmem>>)
      %mul3A_202 = arith.constant 2 : i32
      %mul3A_203 = arith.muli %mul3A_202, %add3A_187 : i32
      %add3A_204 = arith.addi %mul3A_2, %mul3A_203 : i32
      %add3A_205 = arith.constant 1 : i32
      %add3A_206 = arith.addi %add3A_204, %add3A_205 : i32
      %dma_start3A_207 = arith.constant 1 : i32
      %dma_start3A_208 = arith.constant 1 : i32
      %dma_start3A_209 = arith.constant 0 : i32
      %dma_start3A_210 = arith.constant 0 : i32
      %dma_start3A_211 = tpu.memref_slice %arg6[%dma_start3A_207, %dma_start3A_209, %dma_start3A_210] : memref<2x112x128xf32, #tpu.memory_space<vmem>> -> memref<1x50x128xf32, #tpu.memory_space<vmem>>
      %dma_start3A_212 = tpu.memref_squeeze %dma_start3A_211 : memref<1x50x128xf32, #tpu.memory_space<vmem>> -> memref<50x128xf32, #tpu.memory_space<vmem>>
      %dma_start3A_213 = arith.constant 0 : i32
      %dma_start3A_214 = arith.constant 0 : i32
      %dma_start3A_215 = tpu.memref_slice %arg4[%add3A_204, %dma_start3A_213, %dma_start3A_214] : memref<16384x50x128xf32, #tpu.memory_space<hbm>> -> memref<1x50x128xf32, #tpu.memory_space<hbm>>
      %dma_start3A_216 = tpu.memref_squeeze %dma_start3A_215 : memref<1x50x128xf32, #tpu.memory_space<hbm>> -> memref<50x128xf32, #tpu.memory_space<hbm>>
      %dma_start3A_217 = tpu.memref_slice %arg8[%dma_start3A_208] : memref<2x!tpu.dma_semaphore, #tpu.memory_space<semaphore_mem>> -> memref<1x!tpu.dma_semaphore, #tpu.memory_space<semaphore_mem>>
      %dma_start3A_218 = tpu.memref_squeeze %dma_start3A_217 : memref<1x!tpu.dma_semaphore, #tpu.memory_space<semaphore_mem>> -> memref<!tpu.dma_semaphore, #tpu.memory_space<semaphore_mem>>
      %dma_start3A_219 = arith.constant 0 : i32
      %dma_start3A_220 = arith.constant 0 : i32
      %dma_start3A_221 = tpu.memref_slice %arg4[%add3A_204, %dma_start3A_219, %dma_start3A_220] : memref<16384x50x128xf32, #tpu.memory_space<hbm>> -> memref<1x50x128xf32, #tpu.memory_space<hbm>>
      %dma_start3A_222 = tpu.memref_squeeze %dma_start3A_221 : memref<1x50x128xf32, #tpu.memory_space<hbm>> -> memref<50x128xf32, #tpu.memory_space<hbm>>
      %dma_start3A_223 = arith.constant 0 : i32
      %dma_start3A_224 = arith.constant 0 : i32
      %dma_start3A_225 = tpu.memref_slice %arg6[%dma_start3A_207, %dma_start3A_223, %dma_start3A_224] : memref<2x112x128xf32, #tpu.memory_space<vmem>> -> memref<1x50x128xf32, #tpu.memory_space<vmem>>
      %dma_start3A_226 = tpu.memref_squeeze %dma_start3A_225 : memref<1x50x128xf32, #tpu.memory_space<vmem>> -> memref<50x128xf32, #tpu.memory_space<vmem>>
      tpu.enqueue_dma source(%dma_start3A_226 : memref<50x128xf32, #tpu.memory_space<vmem>>) target(%dma_start3A_222 : memref<50x128xf32, #tpu.memory_space<hbm>>) target_semaphore(%dma_start3A_218 : memref<!tpu.dma_semaphore, #tpu.memory_space<semaphore_mem>>)
      %dma_start3A_227 = arith.constant 1 : i32
      %dma_start3A_228 = arith.constant 1 : i32
      %dma_start3A_229 = arith.constant 56 : i32
      %dma_start3A_230 = arith.constant 0 : i32
      %dma_start3A_231 = tpu.memref_slice %arg6[%dma_start3A_227, %dma_start3A_229, %dma_start3A_230] : memref<2x112x128xf32, #tpu.memory_space<vmem>> -> memref<1x50x128xf32, #tpu.memory_space<vmem>>
      %dma_start3A_232 = tpu.memref_squeeze %dma_start3A_231 : memref<1x50x128xf32, #tpu.memory_space<vmem>> -> memref<50x128xf32, #tpu.memory_space<vmem>>
      %dma_start3A_233 = arith.constant 0 : i32
      %dma_start3A_234 = arith.constant 0 : i32
      %dma_start3A_235 = tpu.memref_slice %arg4[%add3A_206, %dma_start3A_233, %dma_start3A_234] : memref<16384x50x128xf32, #tpu.memory_space<hbm>> -> memref<1x50x128xf32, #tpu.memory_space<hbm>>
      %dma_start3A_236 = tpu.memref_squeeze %dma_start3A_235 : memref<1x50x128xf32, #tpu.memory_space<hbm>> -> memref<50x128xf32, #tpu.memory_space<hbm>>
      %dma_start3A_237 = tpu.memref_slice %arg8[%dma_start3A_228] : memref<2x!tpu.dma_semaphore, #tpu.memory_space<semaphore_mem>> -> memref<1x!tpu.dma_semaphore, #tpu.memory_space<semaphore_mem>>
      %dma_start3A_238 = tpu.memref_squeeze %dma_start3A_237 : memref<1x!tpu.dma_semaphore, #tpu.memory_space<semaphore_mem>> -> memref<!tpu.dma_semaphore, #tpu.memory_space<semaphore_mem>>
      %dma_start3A_239 = arith.constant 0 : i32
      %dma_start3A_240 = arith.constant 0 : i32
      %dma_start3A_241 = tpu.memref_slice %arg4[%add3A_206, %dma_start3A_239, %dma_start3A_240] : memref<16384x50x128xf32, #tpu.memory_space<hbm>> -> memref<1x50x128xf32, #tpu.memory_space<hbm>>
      %dma_start3A_242 = tpu.memref_squeeze %dma_start3A_241 : memref<1x50x128xf32, #tpu.memory_space<hbm>> -> memref<50x128xf32, #tpu.memory_space<hbm>>
      %dma_start3A_243 = arith.constant 56 : i32
      %dma_start3A_244 = arith.constant 0 : i32
      %dma_start3A_245 = tpu.memref_slice %arg6[%dma_start3A_227, %dma_start3A_243, %dma_start3A_244] : memref<2x112x128xf32, #tpu.memory_space<vmem>> -> memref<1x50x128xf32, #tpu.memory_space<vmem>>
      %dma_start3A_246 = tpu.memref_squeeze %dma_start3A_245 : memref<1x50x128xf32, #tpu.memory_space<vmem>> -> memref<50x128xf32, #tpu.memory_space<vmem>>
      tpu.enqueue_dma source(%dma_start3A_246 : memref<50x128xf32, #tpu.memory_space<vmem>>) target(%dma_start3A_242 : memref<50x128xf32, #tpu.memory_space<hbm>>) target_semaphore(%dma_start3A_238 : memref<!tpu.dma_semaphore, #tpu.memory_space<semaphore_mem>>)
      %lt3A = arith.constant 127 : i32
      %lt3A_247 = arith.cmpi slt, %scan3A_122, %lt3A : i32
      %convert_element_type3A = arith.extui %lt3A_247 : i1 to i32
      %cond3A = arith.constant 0 : i32
      %cond3A_248 = arith.cmpi ne, %convert_element_type3A, %cond3A : i32
      scf.if %cond3A_248 {
        %add3A_249 = arith.constant 0 : i32
        %add3A_250 = arith.addi %mul3A_124, %add3A_249 : i32
        %mul3A_251 = arith.constant 2 : i32
        %mul3A_252 = arith.muli %mul3A_251, %add3A_250 : i32
        %add3A_253 = arith.addi %mul3A_2, %mul3A_252 : i32
        %add3A_254 = arith.constant 1 : i32
        %add3A_255 = arith.addi %add3A_253, %add3A_254 : i32
        %dma_wait3A_256 = arith.constant 0 : i32
        %dma_wait3A_257 = arith.constant 0 : i32
        %dma_wait3A_258 = arith.constant 0 : i32
        %dma_wait3A_259 = arith.constant 0 : i32
        %dma_wait3A_260 = tpu.memref_slice %arg6[%dma_wait3A_256, %dma_wait3A_258, %dma_wait3A_259] : memref<2x112x128xf32, #tpu.memory_space<vmem>> -> memref<1x50x128xf32, #tpu.memory_space<vmem>>
        %dma_wait3A_261 = tpu.memref_squeeze %dma_wait3A_260 : memref<1x50x128xf32, #tpu.memory_space<vmem>> -> memref<50x128xf32, #tpu.memory_space<vmem>>
        %dma_wait3A_262 = arith.constant 0 : i32
        %dma_wait3A_263 = arith.constant 0 : i32
        %dma_wait3A_264 = tpu.memref_slice %arg4[%add3A_253, %dma_wait3A_262, %dma_wait3A_263] : memref<16384x50x128xf32, #tpu.memory_space<hbm>> -> memref<1x50x128xf32, #tpu.memory_space<hbm>>
        %dma_wait3A_265 = tpu.memref_squeeze %dma_wait3A_264 : memref<1x50x128xf32, #tpu.memory_space<hbm>> -> memref<50x128xf32, #tpu.memory_space<hbm>>
        %dma_wait3A_266 = tpu.memref_slice %arg8[%dma_wait3A_257] : memref<2x!tpu.dma_semaphore, #tpu.memory_space<semaphore_mem>> -> memref<1x!tpu.dma_semaphore, #tpu.memory_space<semaphore_mem>>
        %dma_wait3A_267 = tpu.memref_squeeze %dma_wait3A_266 : memref<1x!tpu.dma_semaphore, #tpu.memory_space<semaphore_mem>> -> memref<!tpu.dma_semaphore, #tpu.memory_space<semaphore_mem>>
        %dma_wait3A_268 = arith.constant 0 : i32
        %dma_wait3A_269 = arith.constant 0 : i32
        %dma_wait3A_270 = tpu.memref_slice %arg4[%add3A_253, %dma_wait3A_268, %dma_wait3A_269] : memref<16384x50x128xf32, #tpu.memory_space<hbm>> -> memref<1x50x128xf32, #tpu.memory_space<hbm>>
        %dma_wait3A_271 = tpu.memref_squeeze %dma_wait3A_270 : memref<1x50x128xf32, #tpu.memory_space<hbm>> -> memref<50x128xf32, #tpu.memory_space<hbm>>
        %dma_wait3A_272 = arith.constant 0 : i32
        %dma_wait3A_273 = arith.constant 0 : i32
        %dma_wait3A_274 = tpu.memref_slice %arg6[%dma_wait3A_256, %dma_wait3A_272, %dma_wait3A_273] : memref<2x112x128xf32, #tpu.memory_space<vmem>> -> memref<1x50x128xf32, #tpu.memory_space<vmem>>
        %dma_wait3A_275 = tpu.memref_squeeze %dma_wait3A_274 : memref<1x50x128xf32, #tpu.memory_space<vmem>> -> memref<50x128xf32, #tpu.memory_space<vmem>>
        tpu.wait_dma2 semaphore(%dma_wait3A_267 : memref<!tpu.dma_semaphore, #tpu.memory_space<semaphore_mem>>) src(%dma_wait3A_275 : memref<50x128xf32, #tpu.memory_space<vmem>>) dst(%dma_wait3A_271 : memref<50x128xf32, #tpu.memory_space<hbm>>)
        %dma_wait3A_276 = arith.constant 0 : i32
        %dma_wait3A_277 = arith.constant 0 : i32
        %dma_wait3A_278 = arith.constant 56 : i32
        %dma_wait3A_279 = arith.constant 0 : i32
        %dma_wait3A_280 = tpu.memref_slice %arg6[%dma_wait3A_276, %dma_wait3A_278, %dma_wait3A_279] : memref<2x112x128xf32, #tpu.memory_space<vmem>> -> memref<1x50x128xf32, #tpu.memory_space<vmem>>
        %dma_wait3A_281 = tpu.memref_squeeze %dma_wait3A_280 : memref<1x50x128xf32, #tpu.memory_space<vmem>> -> memref<50x128xf32, #tpu.memory_space<vmem>>
        %dma_wait3A_282 = arith.constant 0 : i32
        %dma_wait3A_283 = arith.constant 0 : i32
        %dma_wait3A_284 = tpu.memref_slice %arg4[%add3A_255, %dma_wait3A_282, %dma_wait3A_283] : memref<16384x50x128xf32, #tpu.memory_space<hbm>> -> memref<1x50x128xf32, #tpu.memory_space<hbm>>
        %dma_wait3A_285 = tpu.memref_squeeze %dma_wait3A_284 : memref<1x50x128xf32, #tpu.memory_space<hbm>> -> memref<50x128xf32, #tpu.memory_space<hbm>>
        %dma_wait3A_286 = tpu.memref_slice %arg8[%dma_wait3A_277] : memref<2x!tpu.dma_semaphore, #tpu.memory_space<semaphore_mem>> -> memref<1x!tpu.dma_semaphore, #tpu.memory_space<semaphore_mem>>
        %dma_wait3A_287 = tpu.memref_squeeze %dma_wait3A_286 : memref<1x!tpu.dma_semaphore, #tpu.memory_space<semaphore_mem>> -> memref<!tpu.dma_semaphore, #tpu.memory_space<semaphore_mem>>
        %dma_wait3A_288 = arith.constant 0 : i32
        %dma_wait3A_289 = arith.constant 0 : i32
        %dma_wait3A_290 = tpu.memref_slice %arg4[%add3A_255, %dma_wait3A_288, %dma_wait3A_289] : memref<16384x50x128xf32, #tpu.memory_space<hbm>> -> memref<1x50x128xf32, #tpu.memory_space<hbm>>
        %dma_wait3A_291 = tpu.memref_squeeze %dma_wait3A_290 : memref<1x50x128xf32, #tpu.memory_space<hbm>> -> memref<50x128xf32, #tpu.memory_space<hbm>>
        %dma_wait3A_292 = arith.constant 56 : i32
        %dma_wait3A_293 = arith.constant 0 : i32
        %dma_wait3A_294 = tpu.memref_slice %arg6[%dma_wait3A_276, %dma_wait3A_292, %dma_wait3A_293] : memref<2x112x128xf32, #tpu.memory_space<vmem>> -> memref<1x50x128xf32, #tpu.memory_space<vmem>>
        %dma_wait3A_295 = tpu.memref_squeeze %dma_wait3A_294 : memref<1x50x128xf32, #tpu.memory_space<vmem>> -> memref<50x128xf32, #tpu.memory_space<vmem>>
        tpu.wait_dma2 semaphore(%dma_wait3A_287 : memref<!tpu.dma_semaphore, #tpu.memory_space<semaphore_mem>>) src(%dma_wait3A_295 : memref<50x128xf32, #tpu.memory_space<vmem>>) dst(%dma_wait3A_291 : memref<50x128xf32, #tpu.memory_space<hbm>>)
        %add3A_296 = arith.constant 2 : i32
        %add3A_297 = arith.addi %add3A_250, %add3A_296 : i32
        %mul3A_298 = arith.constant 112 : i32
        %mul3A_299 = arith.muli %add3A_297, %mul3A_298 : i32
        %dma_start3A_300 = arith.constant 0 : i32
        %dma_start3A_301 = arith.constant 0 : i32
        %dma_start3A_302 = arith.constant 0 : i32
        %dma_start3A_303 = arith.constant 0 : i32
        %dma_start3A_304 = tpu.memref_slice %arg6[%dma_start3A_300, %dma_start3A_302, %dma_start3A_303] : memref<2x112x128xf32, #tpu.memory_space<vmem>> -> memref<1x112x128xf32, #tpu.memory_space<vmem>>
        %dma_start3A_305 = tpu.memref_squeeze %dma_start3A_304 : memref<1x112x128xf32, #tpu.memory_space<vmem>> -> memref<112x128xf32, #tpu.memory_space<vmem>>
        %dma_start3A_306 = tpu.memref_slice %arg5[%mul3A_299] : memref<28672xi32, #tpu.memory_space<vmem>> -> memref<112xi32, #tpu.memory_space<vmem>>
        %dma_start3A_307 = arith.constant 0 : i32
        %dma_start3A_308 = arith.constant 0 : i32
        %dma_start3A_309 = tpu.memref_slice %arg3[%dma_start3A_307, %dma_start3A_308] : memref<100000x128xf32, #tpu.memory_space<hbm>> -> memref<100000x128xf32, #tpu.memory_space<hbm>>
        %dma_start3A_310 = tpu.memref_slice %arg7[%dma_start3A_301] : memref<2x!tpu.dma_semaphore, #tpu.memory_space<semaphore_mem>> -> memref<1x!tpu.dma_semaphore, #tpu.memory_space<semaphore_mem>>
        %dma_start3A_311 = tpu.memref_squeeze %dma_start3A_310 : memref<1x!tpu.dma_semaphore, #tpu.memory_space<semaphore_mem>> -> memref<!tpu.dma_semaphore, #tpu.memory_space<semaphore_mem>>
        tpu.enqueue_indirect_dma source(%dma_start3A_309 : memref<100000x128xf32, #tpu.memory_space<hbm>>) target(%dma_start3A_305 : memref<112x128xf32, #tpu.memory_space<vmem>>) offsets(%dma_start3A_306 : memref<112xi32, #tpu.memory_space<vmem>>) semaphore(%dma_start3A_311 : memref<!tpu.dma_semaphore, #tpu.memory_space<semaphore_mem>>)
        %add3A_312 = arith.constant 1 : i32
        %add3A_313 = arith.addi %mul3A_124, %add3A_312 : i32
        %mul3A_314 = arith.constant 2 : i32
        %mul3A_315 = arith.muli %mul3A_314, %add3A_313 : i32
        %add3A_316 = arith.addi %mul3A_2, %mul3A_315 : i32
        %add3A_317 = arith.constant 1 : i32
        %add3A_318 = arith.addi %add3A_316, %add3A_317 : i32
        %dma_wait3A_319 = arith.constant 1 : i32
        %dma_wait3A_320 = arith.constant 1 : i32
        %dma_wait3A_321 = arith.constant 0 : i32
        %dma_wait3A_322 = arith.constant 0 : i32
        %dma_wait3A_323 = tpu.memref_slice %arg6[%dma_wait3A_319, %dma_wait3A_321, %dma_wait3A_322] : memref<2x112x128xf32, #tpu.memory_space<vmem>> -> memref<1x50x128xf32, #tpu.memory_space<vmem>>
        %dma_wait3A_324 = tpu.memref_squeeze %dma_wait3A_323 : memref<1x50x128xf32, #tpu.memory_space<vmem>> -> memref<50x128xf32, #tpu.memory_space<vmem>>
        %dma_wait3A_325 = arith.constant 0 : i32
        %dma_wait3A_326 = arith.constant 0 : i32
        %dma_wait3A_327 = tpu.memref_slice %arg4[%add3A_316, %dma_wait3A_325, %dma_wait3A_326] : memref<16384x50x128xf32, #tpu.memory_space<hbm>> -> memref<1x50x128xf32, #tpu.memory_space<hbm>>
        %dma_wait3A_328 = tpu.memref_squeeze %dma_wait3A_327 : memref<1x50x128xf32, #tpu.memory_space<hbm>> -> memref<50x128xf32, #tpu.memory_space<hbm>>
        %dma_wait3A_329 = tpu.memref_slice %arg8[%dma_wait3A_320] : memref<2x!tpu.dma_semaphore, #tpu.memory_space<semaphore_mem>> -> memref<1x!tpu.dma_semaphore, #tpu.memory_space<semaphore_mem>>
        %dma_wait3A_330 = tpu.memref_squeeze %dma_wait3A_329 : memref<1x!tpu.dma_semaphore, #tpu.memory_space<semaphore_mem>> -> memref<!tpu.dma_semaphore, #tpu.memory_space<semaphore_mem>>
        %dma_wait3A_331 = arith.constant 0 : i32
        %dma_wait3A_332 = arith.constant 0 : i32
        %dma_wait3A_333 = tpu.memref_slice %arg4[%add3A_316, %dma_wait3A_331, %dma_wait3A_332] : memref<16384x50x128xf32, #tpu.memory_space<hbm>> -> memref<1x50x128xf32, #tpu.memory_space<hbm>>
        %dma_wait3A_334 = tpu.memref_squeeze %dma_wait3A_333 : memref<1x50x128xf32, #tpu.memory_space<hbm>> -> memref<50x128xf32, #tpu.memory_space<hbm>>
        %dma_wait3A_335 = arith.constant 0 : i32
        %dma_wait3A_336 = arith.constant 0 : i32
        %dma_wait3A_337 = tpu.memref_slice %arg6[%dma_wait3A_319, %dma_wait3A_335, %dma_wait3A_336] : memref<2x112x128xf32, #tpu.memory_space<vmem>> -> memref<1x50x128xf32, #tpu.memory_space<vmem>>
        %dma_wait3A_338 = tpu.memref_squeeze %dma_wait3A_337 : memref<1x50x128xf32, #tpu.memory_space<vmem>> -> memref<50x128xf32, #tpu.memory_space<vmem>>
        tpu.wait_dma2 semaphore(%dma_wait3A_330 : memref<!tpu.dma_semaphore, #tpu.memory_space<semaphore_mem>>) src(%dma_wait3A_338 : memref<50x128xf32, #tpu.memory_space<vmem>>) dst(%dma_wait3A_334 : memref<50x128xf32, #tpu.memory_space<hbm>>)
        %dma_wait3A_339 = arith.constant 1 : i32
        %dma_wait3A_340 = arith.constant 1 : i32
        %dma_wait3A_341 = arith.constant 56 : i32
        %dma_wait3A_342 = arith.constant 0 : i32
        %dma_wait3A_343 = tpu.memref_slice %arg6[%dma_wait3A_339, %dma_wait3A_341, %dma_wait3A_342] : memref<2x112x128xf32, #tpu.memory_space<vmem>> -> memref<1x50x128xf32, #tpu.memory_space<vmem>>
        %dma_wait3A_344 = tpu.memref_squeeze %dma_wait3A_343 : memref<1x50x128xf32, #tpu.memory_space<vmem>> -> memref<50x128xf32, #tpu.memory_space<vmem>>
        %dma_wait3A_345 = arith.constant 0 : i32
        %dma_wait3A_346 = arith.constant 0 : i32
        %dma_wait3A_347 = tpu.memref_slice %arg4[%add3A_318, %dma_wait3A_345, %dma_wait3A_346] : memref<16384x50x128xf32, #tpu.memory_space<hbm>> -> memref<1x50x128xf32, #tpu.memory_space<hbm>>
        %dma_wait3A_348 = tpu.memref_squeeze %dma_wait3A_347 : memref<1x50x128xf32, #tpu.memory_space<hbm>> -> memref<50x128xf32, #tpu.memory_space<hbm>>
        %dma_wait3A_349 = tpu.memref_slice %arg8[%dma_wait3A_340] : memref<2x!tpu.dma_semaphore, #tpu.memory_space<semaphore_mem>> -> memref<1x!tpu.dma_semaphore, #tpu.memory_space<semaphore_mem>>
        %dma_wait3A_350 = tpu.memref_squeeze %dma_wait3A_349 : memref<1x!tpu.dma_semaphore, #tpu.memory_space<semaphore_mem>> -> memref<!tpu.dma_semaphore, #tpu.memory_space<semaphore_mem>>
        %dma_wait3A_351 = arith.constant 0 : i32
        %dma_wait3A_352 = arith.constant 0 : i32
        %dma_wait3A_353 = tpu.memref_slice %arg4[%add3A_318, %dma_wait3A_351, %dma_wait3A_352] : memref<16384x50x128xf32, #tpu.memory_space<hbm>> -> memref<1x50x128xf32, #tpu.memory_space<hbm>>
        %dma_wait3A_354 = tpu.memref_squeeze %dma_wait3A_353 : memref<1x50x128xf32, #tpu.memory_space<hbm>> -> memref<50x128xf32, #tpu.memory_space<hbm>>
        %dma_wait3A_355 = arith.constant 56 : i32
        %dma_wait3A_356 = arith.constant 0 : i32
        %dma_wait3A_357 = tpu.memref_slice %arg6[%dma_wait3A_339, %dma_wait3A_355, %dma_wait3A_356] : memref<2x112x128xf32, #tpu.memory_space<vmem>> -> memref<1x50x128xf32, #tpu.memory_space<vmem>>
        %dma_wait3A_358 = tpu.memref_squeeze %dma_wait3A_357 : memref<1x50x128xf32, #tpu.memory_space<vmem>> -> memref<50x128xf32, #tpu.memory_space<vmem>>
        tpu.wait_dma2 semaphore(%dma_wait3A_350 : memref<!tpu.dma_semaphore, #tpu.memory_space<semaphore_mem>>) src(%dma_wait3A_358 : memref<50x128xf32, #tpu.memory_space<vmem>>) dst(%dma_wait3A_354 : memref<50x128xf32, #tpu.memory_space<hbm>>)
        %add3A_359 = arith.constant 2 : i32
        %add3A_360 = arith.addi %add3A_313, %add3A_359 : i32
        %mul3A_361 = arith.constant 112 : i32
        %mul3A_362 = arith.muli %add3A_360, %mul3A_361 : i32
        %dma_start3A_363 = arith.constant 1 : i32
        %dma_start3A_364 = arith.constant 1 : i32
        %dma_start3A_365 = arith.constant 0 : i32
        %dma_start3A_366 = arith.constant 0 : i32
        %dma_start3A_367 = tpu.memref_slice %arg6[%dma_start3A_363, %dma_start3A_365, %dma_start3A_366] : memref<2x112x128xf32, #tpu.memory_space<vmem>> -> memref<1x112x128xf32, #tpu.memory_space<vmem>>
        %dma_start3A_368 = tpu.memref_squeeze %dma_start3A_367 : memref<1x112x128xf32, #tpu.memory_space<vmem>> -> memref<112x128xf32, #tpu.memory_space<vmem>>
        %dma_start3A_369 = tpu.memref_slice %arg5[%mul3A_362] : memref<28672xi32, #tpu.memory_space<vmem>> -> memref<112xi32, #tpu.memory_space<vmem>>
        %dma_start3A_370 = arith.constant 0 : i32
        %dma_start3A_371 = arith.constant 0 : i32
        %dma_start3A_372 = tpu.memref_slice %arg3[%dma_start3A_370, %dma_start3A_371] : memref<100000x128xf32, #tpu.memory_space<hbm>> -> memref<100000x128xf32, #tpu.memory_space<hbm>>
        %dma_start3A_373 = tpu.memref_slice %arg7[%dma_start3A_364] : memref<2x!tpu.dma_semaphore, #tpu.memory_space<semaphore_mem>> -> memref<1x!tpu.dma_semaphore, #tpu.memory_space<semaphore_mem>>
        %dma_start3A_374 = tpu.memref_squeeze %dma_start3A_373 : memref<1x!tpu.dma_semaphore, #tpu.memory_space<semaphore_mem>> -> memref<!tpu.dma_semaphore, #tpu.memory_space<semaphore_mem>>
        tpu.enqueue_indirect_dma source(%dma_start3A_372 : memref<100000x128xf32, #tpu.memory_space<hbm>>) target(%dma_start3A_368 : memref<112x128xf32, #tpu.memory_space<vmem>>) offsets(%dma_start3A_369 : memref<112xi32, #tpu.memory_space<vmem>>) semaphore(%dma_start3A_374 : memref<!tpu.dma_semaphore, #tpu.memory_space<semaphore_mem>>)
      } else {
      }
    }
    %scan3A_34 = arith.constant 128 : i32
    %add3A_35 = arith.constant 508 : i32
    %add3A_36 = arith.addi %mul3A_2, %add3A_35 : i32
    %add3A_37 = arith.constant 1 : i32
    %add3A_38 = arith.addi %add3A_36, %add3A_37 : i32
    %dma_wait3A = arith.constant 0 : i32
    %dma_wait3A_39 = arith.constant 0 : i32
    %dma_wait3A_40 = arith.constant 0 : i32
    %dma_wait3A_41 = arith.constant 0 : i32
    %dma_wait3A_42 = tpu.memref_slice %arg6[%dma_wait3A, %dma_wait3A_40, %dma_wait3A_41] : memref<2x112x128xf32, #tpu.memory_space<vmem>> -> memref<1x50x128xf32, #tpu.memory_space<vmem>>
    %dma_wait3A_43 = tpu.memref_squeeze %dma_wait3A_42 : memref<1x50x128xf32, #tpu.memory_space<vmem>> -> memref<50x128xf32, #tpu.memory_space<vmem>>
    %dma_wait3A_44 = arith.constant 0 : i32
    %dma_wait3A_45 = arith.constant 0 : i32
    %dma_wait3A_46 = tpu.memref_slice %arg4[%add3A_36, %dma_wait3A_44, %dma_wait3A_45] : memref<16384x50x128xf32, #tpu.memory_space<hbm>> -> memref<1x50x128xf32, #tpu.memory_space<hbm>>
    %dma_wait3A_47 = tpu.memref_squeeze %dma_wait3A_46 : memref<1x50x128xf32, #tpu.memory_space<hbm>> -> memref<50x128xf32, #tpu.memory_space<hbm>>
    %dma_wait3A_48 = tpu.memref_slice %arg8[%dma_wait3A_39] : memref<2x!tpu.dma_semaphore, #tpu.memory_space<semaphore_mem>> -> memref<1x!tpu.dma_semaphore, #tpu.memory_space<semaphore_mem>>
    %dma_wait3A_49 = tpu.memref_squeeze %dma_wait3A_48 : memref<1x!tpu.dma_semaphore, #tpu.memory_space<semaphore_mem>> -> memref<!tpu.dma_semaphore, #tpu.memory_space<semaphore_mem>>
    %dma_wait3A_50 = arith.constant 0 : i32
    %dma_wait3A_51 = arith.constant 0 : i32
    %dma_wait3A_52 = tpu.memref_slice %arg4[%add3A_36, %dma_wait3A_50, %dma_wait3A_51] : memref<16384x50x128xf32, #tpu.memory_space<hbm>> -> memref<1x50x128xf32, #tpu.memory_space<hbm>>
    %dma_wait3A_53 = tpu.memref_squeeze %dma_wait3A_52 : memref<1x50x128xf32, #tpu.memory_space<hbm>> -> memref<50x128xf32, #tpu.memory_space<hbm>>
    %dma_wait3A_54 = arith.constant 0 : i32
    %dma_wait3A_55 = arith.constant 0 : i32
    %dma_wait3A_56 = tpu.memref_slice %arg6[%dma_wait3A, %dma_wait3A_54, %dma_wait3A_55] : memref<2x112x128xf32, #tpu.memory_space<vmem>> -> memref<1x50x128xf32, #tpu.memory_space<vmem>>
    %dma_wait3A_57 = tpu.memref_squeeze %dma_wait3A_56 : memref<1x50x128xf32, #tpu.memory_space<vmem>> -> memref<50x128xf32, #tpu.memory_space<vmem>>
    tpu.wait_dma2 semaphore(%dma_wait3A_49 : memref<!tpu.dma_semaphore, #tpu.memory_space<semaphore_mem>>) src(%dma_wait3A_57 : memref<50x128xf32, #tpu.memory_space<vmem>>) dst(%dma_wait3A_53 : memref<50x128xf32, #tpu.memory_space<hbm>>)
    %dma_wait3A_58 = arith.constant 0 : i32
    %dma_wait3A_59 = arith.constant 0 : i32
    %dma_wait3A_60 = arith.constant 56 : i32
    %dma_wait3A_61 = arith.constant 0 : i32
    %dma_wait3A_62 = tpu.memref_slice %arg6[%dma_wait3A_58, %dma_wait3A_60, %dma_wait3A_61] : memref<2x112x128xf32, #tpu.memory_space<vmem>> -> memref<1x50x128xf32, #tpu.memory_space<vmem>>
    %dma_wait3A_63 = tpu.memref_squeeze %dma_wait3A_62 : memref<1x50x128xf32, #tpu.memory_space<vmem>> -> memref<50x128xf32, #tpu.memory_space<vmem>>
    %dma_wait3A_64 = arith.constant 0 : i32
    %dma_wait3A_65 = arith.constant 0 : i32
    %dma_wait3A_66 = tpu.memref_slice %arg4[%add3A_38, %dma_wait3A_64, %dma_wait3A_65] : memref<16384x50x128xf32, #tpu.memory_space<hbm>> -> memref<1x50x128xf32, #tpu.memory_space<hbm>>
    %dma_wait3A_67 = tpu.memref_squeeze %dma_wait3A_66 : memref<1x50x128xf32, #tpu.memory_space<hbm>> -> memref<50x128xf32, #tpu.memory_space<hbm>>
    %dma_wait3A_68 = tpu.memref_slice %arg8[%dma_wait3A_59] : memref<2x!tpu.dma_semaphore, #tpu.memory_space<semaphore_mem>> -> memref<1x!tpu.dma_semaphore, #tpu.memory_space<semaphore_mem>>
    %dma_wait3A_69 = tpu.memref_squeeze %dma_wait3A_68 : memref<1x!tpu.dma_semaphore, #tpu.memory_space<semaphore_mem>> -> memref<!tpu.dma_semaphore, #tpu.memory_space<semaphore_mem>>
    %dma_wait3A_70 = arith.constant 0 : i32
    %dma_wait3A_71 = arith.constant 0 : i32
    %dma_wait3A_72 = tpu.memref_slice %arg4[%add3A_38, %dma_wait3A_70, %dma_wait3A_71] : memref<16384x50x128xf32, #tpu.memory_space<hbm>> -> memref<1x50x128xf32, #tpu.memory_space<hbm>>
    %dma_wait3A_73 = tpu.memref_squeeze %dma_wait3A_72 : memref<1x50x128xf32, #tpu.memory_space<hbm>> -> memref<50x128xf32, #tpu.memory_space<hbm>>
    %dma_wait3A_74 = arith.constant 56 : i32
    %dma_wait3A_75 = arith.constant 0 : i32
    %dma_wait3A_76 = tpu.memref_slice %arg6[%dma_wait3A_58, %dma_wait3A_74, %dma_wait3A_75] : memref<2x112x128xf32, #tpu.memory_space<vmem>> -> memref<1x50x128xf32, #tpu.memory_space<vmem>>
    %dma_wait3A_77 = tpu.memref_squeeze %dma_wait3A_76 : memref<1x50x128xf32, #tpu.memory_space<vmem>> -> memref<50x128xf32, #tpu.memory_space<vmem>>
    tpu.wait_dma2 semaphore(%dma_wait3A_69 : memref<!tpu.dma_semaphore, #tpu.memory_space<semaphore_mem>>) src(%dma_wait3A_77 : memref<50x128xf32, #tpu.memory_space<vmem>>) dst(%dma_wait3A_73 : memref<50x128xf32, #tpu.memory_space<hbm>>)
    %add3A_78 = arith.constant 510 : i32
    %add3A_79 = arith.addi %mul3A_2, %add3A_78 : i32
    %add3A_80 = arith.constant 1 : i32
    %add3A_81 = arith.addi %add3A_79, %add3A_80 : i32
    %dma_wait3A_82 = arith.constant 1 : i32
    %dma_wait3A_83 = arith.constant 1 : i32
    %dma_wait3A_84 = arith.constant 0 : i32
    %dma_wait3A_85 = arith.constant 0 : i32
    %dma_wait3A_86 = tpu.memref_slice %arg6[%dma_wait3A_82, %dma_wait3A_84, %dma_wait3A_85] : memref<2x112x128xf32, #tpu.memory_space<vmem>> -> memref<1x50x128xf32, #tpu.memory_space<vmem>>
    %dma_wait3A_87 = tpu.memref_squeeze %dma_wait3A_86 : memref<1x50x128xf32, #tpu.memory_space<vmem>> -> memref<50x128xf32, #tpu.memory_space<vmem>>
    %dma_wait3A_88 = arith.constant 0 : i32
    %dma_wait3A_89 = arith.constant 0 : i32
    %dma_wait3A_90 = tpu.memref_slice %arg4[%add3A_79, %dma_wait3A_88, %dma_wait3A_89] : memref<16384x50x128xf32, #tpu.memory_space<hbm>> -> memref<1x50x128xf32, #tpu.memory_space<hbm>>
    %dma_wait3A_91 = tpu.memref_squeeze %dma_wait3A_90 : memref<1x50x128xf32, #tpu.memory_space<hbm>> -> memref<50x128xf32, #tpu.memory_space<hbm>>
    %dma_wait3A_92 = tpu.memref_slice %arg8[%dma_wait3A_83] : memref<2x!tpu.dma_semaphore, #tpu.memory_space<semaphore_mem>> -> memref<1x!tpu.dma_semaphore, #tpu.memory_space<semaphore_mem>>
    %dma_wait3A_93 = tpu.memref_squeeze %dma_wait3A_92 : memref<1x!tpu.dma_semaphore, #tpu.memory_space<semaphore_mem>> -> memref<!tpu.dma_semaphore, #tpu.memory_space<semaphore_mem>>
    %dma_wait3A_94 = arith.constant 0 : i32
    %dma_wait3A_95 = arith.constant 0 : i32
    %dma_wait3A_96 = tpu.memref_slice %arg4[%add3A_79, %dma_wait3A_94, %dma_wait3A_95] : memref<16384x50x128xf32, #tpu.memory_space<hbm>> -> memref<1x50x128xf32, #tpu.memory_space<hbm>>
    %dma_wait3A_97 = tpu.memref_squeeze %dma_wait3A_96 : memref<1x50x128xf32, #tpu.memory_space<hbm>> -> memref<50x128xf32, #tpu.memory_space<hbm>>
    %dma_wait3A_98 = arith.constant 0 : i32
    %dma_wait3A_99 = arith.constant 0 : i32
    %dma_wait3A_100 = tpu.memref_slice %arg6[%dma_wait3A_82, %dma_wait3A_98, %dma_wait3A_99] : memref<2x112x128xf32, #tpu.memory_space<vmem>> -> memref<1x50x128xf32, #tpu.memory_space<vmem>>
    %dma_wait3A_101 = tpu.memref_squeeze %dma_wait3A_100 : memref<1x50x128xf32, #tpu.memory_space<vmem>> -> memref<50x128xf32, #tpu.memory_space<vmem>>
    tpu.wait_dma2 semaphore(%dma_wait3A_93 : memref<!tpu.dma_semaphore, #tpu.memory_space<semaphore_mem>>) src(%dma_wait3A_101 : memref<50x128xf32, #tpu.memory_space<vmem>>) dst(%dma_wait3A_97 : memref<50x128xf32, #tpu.memory_space<hbm>>)
    %dma_wait3A_102 = arith.constant 1 : i32
    %dma_wait3A_103 = arith.constant 1 : i32
    %dma_wait3A_104 = arith.constant 56 : i32
    %dma_wait3A_105 = arith.constant 0 : i32
    %dma_wait3A_106 = tpu.memref_slice %arg6[%dma_wait3A_102, %dma_wait3A_104, %dma_wait3A_105] : memref<2x112x128xf32, #tpu.memory_space<vmem>> -> memref<1x50x128xf32, #tpu.memory_space<vmem>>
    %dma_wait3A_107 = tpu.memref_squeeze %dma_wait3A_106 : memref<1x50x128xf32, #tpu.memory_space<vmem>> -> memref<50x128xf32, #tpu.memory_space<vmem>>
    %dma_wait3A_108 = arith.constant 0 : i32
    %dma_wait3A_109 = arith.constant 0 : i32
    %dma_wait3A_110 = tpu.memref_slice %arg4[%add3A_81, %dma_wait3A_108, %dma_wait3A_109] : memref<16384x50x128xf32, #tpu.memory_space<hbm>> -> memref<1x50x128xf32, #tpu.memory_space<hbm>>
    %dma_wait3A_111 = tpu.memref_squeeze %dma_wait3A_110 : memref<1x50x128xf32, #tpu.memory_space<hbm>> -> memref<50x128xf32, #tpu.memory_space<hbm>>
    %dma_wait3A_112 = tpu.memref_slice %arg8[%dma_wait3A_103] : memref<2x!tpu.dma_semaphore, #tpu.memory_space<semaphore_mem>> -> memref<1x!tpu.dma_semaphore, #tpu.memory_space<semaphore_mem>>
    %dma_wait3A_113 = tpu.memref_squeeze %dma_wait3A_112 : memref<1x!tpu.dma_semaphore, #tpu.memory_space<semaphore_mem>> -> memref<!tpu.dma_semaphore, #tpu.memory_space<semaphore_mem>>
    %dma_wait3A_114 = arith.constant 0 : i32
    %dma_wait3A_115 = arith.constant 0 : i32
    %dma_wait3A_116 = tpu.memref_slice %arg4[%add3A_81, %dma_wait3A_114, %dma_wait3A_115] : memref<16384x50x128xf32, #tpu.memory_space<hbm>> -> memref<1x50x128xf32, #tpu.memory_space<hbm>>
    %dma_wait3A_117 = tpu.memref_squeeze %dma_wait3A_116 : memref<1x50x128xf32, #tpu.memory_space<hbm>> -> memref<50x128xf32, #tpu.memory_space<hbm>>
    %dma_wait3A_118 = arith.constant 56 : i32
    %dma_wait3A_119 = arith.constant 0 : i32
    %dma_wait3A_120 = tpu.memref_slice %arg6[%dma_wait3A_102, %dma_wait3A_118, %dma_wait3A_119] : memref<2x112x128xf32, #tpu.memory_space<vmem>> -> memref<1x50x128xf32, #tpu.memory_space<vmem>>
    %dma_wait3A_121 = tpu.memref_squeeze %dma_wait3A_120 : memref<1x50x128xf32, #tpu.memory_space<vmem>> -> memref<50x128xf32, #tpu.memory_space<vmem>>
    tpu.wait_dma2 semaphore(%dma_wait3A_113 : memref<!tpu.dma_semaphore, #tpu.memory_space<semaphore_mem>>) src(%dma_wait3A_121 : memref<50x128xf32, #tpu.memory_space<vmem>>) dst(%dma_wait3A_117 : memref<50x128xf32, #tpu.memory_space<hbm>>)
    return
  }
}

</mosaic_0001>

<sc_bundles>
// kernel: _run.4.cloned.1.call-start
scs
__scs_entry_jumppad:
0x0: {  	(pc) =	sbr.rel $0x88, $3  }
0x1: {  	(tag) =	ssettag $0x0;
	lr =	simm.s32 $0x1  }
0x2: {  	[smem:$0x3F9E] =	sst lr;
	_ =	strace $0xD0000000  }
0x3: {  	_ = 	snop  }
0x4: {  	_ = 	snop  }
0x5: {  	_ = 	snop  }
0x6: {  	_ = 	snop  }
0x7: {  	_ = 	snop  }
__scs_overlays_trampoline_lowered:
0x8: {  	[smem:$0x3FAD] =	sst s0  }
0x9: {  	[smem:$0x3FAE] =	sst s1  }
0xa: {  	[smem:$0x3FAF] =	sst s2  }
0xb: {  	[smem:$0x3FB0] =	sst s3  }
0xc: {  	[smem:$0x3FB1] =	sst s4  }
0xd: {  	[smem:$0x3FB2] =	sst s5  }
0xe: {  	[smem:$0x3FB3] =	sst s6  }
0xf: {  	[smem:$0x3FB4] =	sst s7  }
0x10: {  	[smem:$0x3FB5] =	sst s8  }
0x11: {  	[smem:$0x3FB6] =	sst s9;
	s0 =	simm.s32 @!p0 $0x0  }
0x12: {  	s1 =	sld [smem:$0x3F9C];
	s0 =	simm.s32 @p0 $0x1  }
0x13: {  	[smem:$0x3FB7] =	sst s0;
	s0 =	simm.s32 @!p1 $0x0  }
0x14: {  	s2 =	sld [smem:$0x3F9B];
	s0 =	simm.s32 @p1 $0x1  }
0x15: {  	[smem:$0x3FB8] =	sst s0;
	s0 =	simm.s32 @!p2 $0x0  }
0x16: {  	s3 =	sld [smem:$0x3FDB];
	s0 =	simm.s32 @p2 $0x1  }
0x17: {  	s4 =	simm.s32 $0x1BF5;
	[smem:$0x3FBA] =	sst s0  }
0x18: {  	s0 =	sld [smem:$0x3F9D];
	_ =	swait.ge [sflag:s4], $0x0  }
0x19: {  	s7 =	sld [smem:$0x3F9E]  }
0x1a: {  	s8 =	sadd.s32 $0xFFFFE003, lr  }
0x1b: {  	s9 =	sadd.s32 $0xFFFFFEF7, lr;
	s5 =	simm.s32 $0xFFFFFFFF;
	p2 =	slt.u32 s8, $0xFFFFF086  }
0x1c: {  	p1 =	slt.u32 s9, $0xF7A;
	s5 =	simm.s32 @!p2 $0x0  }
0x1d: {  	s5 =	simm.s32 @p1 $0x1;
	p0 =	seq.s32 s7, s2  }
0x1e: {  	s7 =	smul.u32 @!p0 $0xF7A, s2;
	p2 =	seq.s32 @!p0 s5, $0x0  }
0x1f: {  	s9 =	smul.u32 $0xF7A, s1;
	s8 =	simm.s32 @!p0 $0x1BF5;
	p2 =	por !p2, p0  }
0x20: {  	[sflag:s8] =	ssyncset.s32 @!p0 $0xFFFFF086;
	s6 =	sadd.s32 @!p0 s3, s7;
	s7 =	simm.s32 @!p0 $0x108  }
0x21: {  	s3 =	sadd.s32 s3, s9;
	s6 =	sadd.s32 @!p0 $0x88, s6;
	s7 =	simm.s32 @p2 $0x1082  }
0x22: {  	[simem:s7], [sflag:s8] =	dma.local @!p0 [hbm:s6], $0xF7A  }
0x23: {  	s9 =	sor.u32 $0xD0000000, s2;
	s6 =	simm.s32 $0x108;
	_ =	swait.ge @!p0 [sflag:s8], $0x0  }
0x24: {  	s3 =	sadd.s32 $0x88, s3;
	s6 =	simm.s32 @!p1 $0x1082;
	[sflag:s4] =	ssyncset.s32 $0xFFFFF086  }
0x25: {  	[simem:s6], [sflag:s4] =	dma.local [hbm:s3], $0xF7A  }
0x26: {  	[smem:$0x3F9E] =	sst s1;
	(tag) =	ssettag s2;
	_ =	strace s9  }
0x27: {  	s1 =	sld [smem:$0x3FAE]  }
0x28: {  	s2 =	sld [smem:$0x3FAF]  }
0x29: {  	s4 =	sld [smem:$0x3FB1]  }
0x2a: {  	p0 =	seq.s32 s5, $0x0;
	s5 =	sld [smem:$0x3FB2]  }
0x2b: {  	s6 =	sld [smem:$0x3FB3]  }
0x2c: {  	s7 =	sld [smem:$0x3FB4]  }
0x2d: {  	s3 =	simm.s32 $0x108;
	s8 =	sld [smem:$0x3FB5]  }
0x2e: {  	s3 =	simm.s32 @!p0 $0x1082;
	s9 =	sld [smem:$0x3FB6]  }
0x2f: {  	lr =	sadd.s32 s0, s3;
	s0 =	sld [smem:$0x3FAD]  }
0x30: {  	s3 =	sld [smem:$0x3FB0]  }
0x31: {  	[smem:$0x3FB9] =	sst s10  }
0x32: {  	s10 =	sld [smem:$0x3FB7];
	_ =	sdelay $0x3  }
0x33: {  	p0 =	seq.s32 s10, $0x1;
	s10 =	sld [smem:$0x3FB9];
	_ =	sdelay $0x3  }
0x34: {  	[smem:$0x3FB9] =	sst s10  }
0x35: {  	s10 =	sld [smem:$0x3FB8];
	_ =	sdelay $0x3  }
0x36: {  	p1 =	seq.s32 s10, $0x1;
	s10 =	sld [smem:$0x3FB9];
	_ =	sdelay $0x3  }
0x37: {  	[smem:$0x3FB9] =	sst s10  }
0x38: {  	s10 =	sld [smem:$0x3FBA]  }
0x39: {  	_ = 	snop;
	(pc) =	sbr.ind lr, $3  }
0x3a: {  	_ = 	snop  }
0x3b: {  	_ = 	snop  }
0x3c: {  	p2 =	seq.s32 s10, $0x1;
	s10 =	sld [smem:$0x3FB9]  }
0x3d: {  	_ =	shalt  }
0x3e: {  	_ =	shalt  }
0x3f: {  	_ =	shalt  }
0x40: {  	_ =	shalt  }
0x41: {  	_ =	shalt  }
0x42: {  	_ =	shalt  }
0x43: {  	_ =	shalt  }
0x44: {  	_ =	shalt  }
0x45: {  	_ =	shalt  }
0x46: {  	_ =	shalt  }
0x47: {  	_ =	shalt  }
0x48: {  	_ =	shalt  }
0x49: {  	_ =	shalt  }
0x4a: {  	_ =	shalt  }
0x4b: {  	_ =	shalt  }
0x4c: {  	_ =	shalt  }
0x4d: {  	_ =	shalt  }
0x4e: {  	_ =	shalt  }
0x4f: {  	_ =	shalt  }
0x50: {  	_ =	shalt  }
0x51: {  	_ =	shalt  }
0x52: {  	_ =	shalt  }
0x53: {  	_ =	shalt  }
0x54: {  	_ =	shalt  }
0x55: {  	_ =	shalt  }
0x56: {  	_ =	shalt  }
0x57: {  	_ =	shalt  }
0x58: {  	_ =	shalt  }
0x59: {  	_ =	shalt  }
0x5a: {  	_ =	shalt  }
0x5b: {  	_ =	shalt  }
0x5c: {  	_ =	shalt  }
0x5d: {  	_ =	shalt  }
0x5e: {  	_ =	shalt  }
0x5f: {  	_ =	shalt  }
0x60: {  	_ =	shalt  }
0x61: {  	_ =	shalt  }
0x62: {  	_ =	shalt  }
0x63: {  	_ =	shalt  }
0x64: {  	_ =	shalt  }
0x65: {  	_ =	shalt  }
0x66: {  	_ =	shalt  }
0x67: {  	_ =	shalt  }
0x68: {  	_ =	shalt  }
0x69: {  	_ =	shalt  }
0x6a: {  	_ =	shalt  }
0x6b: {  	_ =	shalt  }
0x6c: {  	_ =	shalt  }
0x6d: {  	_ =	shalt  }
0x6e: {  	_ =	shalt  }
0x6f: {  	_ =	shalt  }
0x70: {  	_ =	shalt  }
0x71: {  	_ =	shalt  }
0x72: {  	_ =	shalt  }
0x73: {  	_ =	shalt  }
0x74: {  	_ =	shalt  }
0x75: {  	_ =	shalt  }
0x76: {  	_ =	shalt  }
0x77: {  	_ =	shalt  }
0x78: {  	_ =	shalt  }
0x79: {  	_ =	shalt  }
0x7a: {  	_ =	shalt  }
0x7b: {  	_ =	shalt  }
0x7c: {  	_ =	shalt  }
0x7d: {  	_ =	shalt  }
0x7e: {  	_ =	shalt  }
0x7f: {  	_ =	shalt  }
0x80: {  	_ =	shalt  }
0x81: {  	_ =	shalt  }
0x82: {  	_ =	shalt  }
0x83: {  	_ =	shalt  }
0x84: {  	_ =	shalt  }
0x85: {  	_ =	shalt  }
0x86: {  	_ =	shalt  }
0x87: {  	_ =	shalt  }
.Lfunc_end0:
.L_simem_size_0:
called_computation_lowered:
.L_overlay_start_0:
0x88: {  	s2 =	sld [smem:$0x3FD9]  }
0x89: {  	s3 =	sld [smem:$0x3FFE];
	_ =	sdelay $0x1  }
0x8a: {  	s1 =	srdreg.scid  }
0x8b: {  	s0 =	sand.u32 $0x1, s1  }
0x8c: {  	s17 =	sshll.u32 s0, $0xA;
	s2 =	sadd.s32 s3, s2  }
0x8d: {  	s2 =	sadd.s32 s2, s17  }
0x8e: {  	[smem:$0x3FC5] =	sst s2  }
0x8f: {  	_ = 	snop  }
0x90: {  	s2 =	sld [smem:$0x3FC9]  }
0x91: {  	s18 =	sld [smem:$0x3FC8];
	(tm) =	ssettm $0x1  }
0x92: {  	s4 =	sld [smem:$0x3FFB];
	_ =	sdelay $0x3  }
0x93: {  	_ =	strace s4  }
0x94: {  	s4 =	sld [smem:$0x3FFC];
	_ =	sdelay $0x3  }
0x95: {  	_ =	strace s4  }
0x96: {  	s4 =	sld [smem:$0x3FFD];
	_ =	sdelay $0x3  }
0x97: {  	_ =	strace s4  }
0x98: {  	_ =	strace $0x8FFFFFFF  }
0x99: {  	s19 =	sld [smem:$0x3FDB];
	_ =	sdelay $0x1  }
0x9a: {  	s5 =	simm.s32 $_scs_section_size  }
0x9b: {  	s6 =	simm.s32 $_size__tile_overlayer_lowered;
	s7 =	simm.s32 $_tile_overlayer_lowered  }
0x9c: {  	s22 =	simm.s32 $0x1BFF;
	s21 =	sshll.u32 s7, $0x1;
	s4 =	sadd.s32 s5, s19  }
0x9d: {  	s8 =	simm.s32 $0x0;
	s20 =	sshll.u32 s6, $0x1;
	s6 =	sadd.s32 s21, s4  }
0x9e: {  	[timem:s8], [sflag:s22] =	dma.local [hbm:s6], s20  }
0x9f: {  	_ =	swait.ge [sflag:s22], s20  }
0xa0: {  	s5 =	ssub.s32 $0x0, s20;
	[sflag:s22] =	ssyncset.done $0x0  }
0xa1: {  	[sflag:s22] =	ssyncadd.s32 s5;
	_ =	sdelay $0x1  }
0xa2: {  	s23 =	simm.s32 $0x1B8B  }
0xa3: {  	_ =	swait.ge [sflag:s23], $0x1  }
0xa4: {  	[sflag:s23] =	ssyncset.done $0x0  }
0xa5: {  	s25 =	simm.s32 $0x1B8E;
	s24 =	sld [smem:$0x3FFE];
	[sflag:s23] =	ssyncadd.s32 $0xFFFFFFFF  }
0xa6: {  	s26 =	simm.s32 $execute0_lowered;
	[smem:$0x3FD2] =	sst s25  }
0xa7: {  	s6 =	sshll.u32 s26, $0x1;
	_ =	strace $0x80000046;
	[dreg:$0x1] =	wrdreg $0xFFFFFFFF  }
0xa8: {  	s28 =	simm.s32 $_size_execute0_lowered;
	s4 =	sadd.s32 s4, s6;
	[dreg:$0x0] =	wrdreg $0x0  }
0xa9: {  	s6 =	sshll.u32 s28, $0x1;
	[dreg:$0x2] =	wrdreg s4  }
0xaa: {  	[dreg:$0x3] =	wrdreg s6  }
0xab: {  	[dreg:$0x4] =	wrdreg $0xC0  }
0xac: {  	_ =	task [dreg:s8], $0x5FFFF  }
0xad: {  	[dreg:$0x1] =	wrdreg $0xFFFFFFFF  }
0xae: {  	[dreg:$0x0] =	wrdreg $0x60  }
0xaf: {  	[dreg:$0x2] =	wrdreg s2  }
0xb0: {  	[dreg:$0x3] =	wrdreg s18  }
0xb1: {  	[dreg:$0x4] =	wrdreg s24  }
0xb2: {  	[dreg:$0x5] =	wrdreg $0x9  }
0xb3: {  	_ =	task.clear_ibuf [dreg:s8], $0x6FFFF;
	_ =	strace $0x90000046  }
0xb4: {  	s29 =	simm.s32 $0x9;
	_ =	strace $0x80000048  }
0xb5: {  	_ =	swait.ge [sflag:s29], $0x1  }
0xb6: {  	[sflag:s29] =	ssyncadd.s32 $0xFFFFFFFF  }
0xb7: {  	_ =	strace $0x90000048  }
0xb8: {  	_ =	sfence  }
0xb9: {  	s30 =	sld [smem:$0x0];
	_ =	sdelay $0x2  }
0xba: {  	s31 =	sshll.u32 s1, $0xD;
	s1 =	sshrl.u32 s1, $0x2  }
0xbb: {  	s3 =	sand.u32 $0x4000, s31;
	s1 =	sadd.s32 s1, s30  }
0xbc: {  	s0 =	sor.u32 s3, s0;
	s1 =	sshll.u32 s1, $0x11  }
0xbd: {  	s0 =	sor.u32 s1, s0  }
0xbe: {  	s0 =	sadd.s32 $0x8F2B, s0  }
0xbf: {  	[sflag:s0] =	ssyncadd.remote.s32 $0x1  }
0xc0: {  	_ =	sfence.sel $0xFFFF  }
0xc1: {  	[dreg:$0x0] =	wrdreg $0xFFFFFFFF;
	(pc) =	sbr.abs _section_cstart, $3  }
0xc2: {  	[dreg:$0x1] =	wrdreg $0xFFFFFFFF  }
0xc3: {  	_ =	task.clear_ibuf [dreg:s8], $0x2FFFF;
	_ =	strace $0x9FFFFFFF  }
0xc4: {  	(tm) =	ssettm $0x7FFFFFFF  }
0xc5: {  	_ =	shalt  }
tec
execute0_lowered:
.L_overlay_start_1:
0x0: {  	(tag) =	ssettag $0x1  }
0x1: {  	s4 =	rddreg [dreg:$0x0];
	s1 =	srdreg.scid  }
0x2: {  	s0 =	stileid.u32;
	s2 =	rddreg [dreg:$0x1]  }
0x3: {  	s5 =	rddreg [dreg:$0x2];
	s3 =	simm.s32 $0x0;
	s16 =	simm.s32 $0xA800  }
0x4: {  	s17 =	simm.s32 $0x1;
	s18 =	simm.s32 $0x8C00;
	s19 =	simm.s32 $0x2  }
0x5: {  	s20 =	simm.s32 $0xC400;
	s10 =	sand.u32 $0x1, s1;
	s1 =	rddreg [dreg:$0x3]  }
0x6: {  	s21 =	sshll.u32 s0, $0x1;
	[smem:$0x7FF] =	sst s3;
	s14 =	smul.u32 $0x700000, s0  }
0x7: {  	s12 =	sadd.s32 $0x800, s5;
	s28 =	smul.u32 $0xE0000, s0;
	s6 =	sor.u32 s10, s21  }
0x8: {  	_ =	strace $0x80000047;
	s11 =	ssub.s32 $0x2, s10;
	s25 =	smul.u32 $0x380000, s10  }
0x9: {  	s15 =	smul.u32 $0x70000, s10;
	s21 =	simm.s32 $0x3;
	s7 =	sshll.u32 s6, $0x9  }
0xa: {  	s6 =	smul.u32 $0xE00, s6;
	s22 =	sshrl.u32 s11, $0x1;
	s8 =	sor.u32 $0x1FC, s7  }
0xb: {  	s31 =	sadd.s32 s28, s12;
	s7 =	sor.u32 $0x1FE, s7;
	s9 =	smul.u32 $0x380, s8  }
0xc: {  	s5 =	ssub.s32 s11, s22;
	s26 =	sadd.s32 s25, s14;
	s8 =	smul.u32 $0x1C00, s8  }
0xd: {  	s14 =	simm.s32 $0x70;
	s22 =	simm.s32 $0x4;
	s13 =	smul.u32 $0x380, s7  }
0xe: {  	s4 =	sadd.s32 s4, s6;
	s23 =	smul.u32 $0x1C00, s7;
	s29 =	sor.u32 $0x5400, s26  }
0xf: {  	s5 =	smax.u32 s5, $0x1;
	s30 =	sshrl.u32 s29, $0x3;
	s24 =	sshrl.u32 s8, $0x3  }
0x10: {  	s6 =	sadd.s32 s12, s9;
	s8 =	sadd.s32 s12, s13;
	s11 =	sshrl.u32 s23, $0x3  }
0x11: {  	s13 =	sor.u32 $0x1C00, s26;
	s10 =	sadd.s32 s30, s12;
	s23 =	simm.s32 $0x0  }
0x12: {  	s7 =	sadd.s32 s12, s24;
	s11 =	sadd.s32 s12, s11;
	s13 =	sshrl.u32 s13, $0x3  }
0x13: {  	s7 =	sadd.s32 $0x380, s7;
	s9 =	sadd.s32 $0x380, s11;
	s11 =	sadd.s32 s15, s31  }
0x14: {  	s12 =	sadd.s32 s13, s12;
	s13 =	simm.s32 $0x5;
	s15 =	simm.s32 $0x7000  }
.LBB2_1:
0x15: {  	[tilespmem:s3], [sflag:$0x5] =	stream.linear.gather [hbm4b:s4+s3], $0x7000, $0x38;
	[tilespmem:$0xE000] =	vst v63  }
0x16: {  	_ =	swait.ge [sflag:s13], $0x7000  }
0x17: {  	[sflag:s13] =	ssyncset.done $0x0  }
0x18: {  	[sflag:s13] =	ssyncadd.s32 $0xFFFF9000  }
0x19: {  	[tilespmem:s15], [sflag:$0x1] =	stream.indirect.gather [hbm4b:s2+s14], $0x80, s3, s14, $0xb8;
	[tilespmem:$0xE000] =	vst v63  }
0x1a: {  	_ = 	snop  }
0x1b: {  	[tilespmem:s16], [sflag:$0x2] =	stream.indirect.gather [hbm4b:s2+s14], $0x80, s14, s14, $0xb8;
	[tilespmem:$0xE000] =	vst v63  }
0x1c: {  	_ =	swait.ge [sflag:s17], $0x3800  }
0x1d: {  	[sflag:s17] =	ssyncset.done $0x0  }
0x1e: {  	s24 =	sadd.s32 $0x0, s11;
	[sflag:s17] =	ssyncadd.s32 $0xFFFFC800  }
0x1f: {  	[hbm4b:s24+s3] =	stream.linear.scatter [tilespmem:s15], [sflag:$0x3], $0x1900, $0x38;
	[tilespmem:$0xE000] =	vst v63  }
0x20: {  	s25 =	sadd.s32 $0x0, s12  }
0x21: {  	[hbm4b:s25+s3] =	stream.linear.scatter [tilespmem:s18], [sflag:$0x3], $0x1900, $0x38;
	[tilespmem:$0xE000] =	vst v63  }
0x22: {  	_ =	swait.ge [sflag:s19], $0x3800  }
0x23: {  	[sflag:s19] =	ssyncset.done $0x0  }
0x24: {  	s24 =	sadd.s32 $0x700, s24;
	[sflag:s19] =	ssyncadd.s32 $0xFFFFC800  }
0x25: {  	[hbm4b:s24+s3] =	stream.linear.scatter [tilespmem:s16], [sflag:$0x4], $0x1900, $0x38;
	[tilespmem:$0xE000] =	vst v63  }
0x26: {  	s30 =	sadd.s32 $0x0, s10  }
0x27: {  	[hbm4b:s30+s3] =	stream.linear.scatter [tilespmem:s20], [sflag:$0x4], $0x1900, $0x38;
	[tilespmem:$0xE000] =	vst v63  }
0x28: {  	_ =	swait.ge [sflag:s21], $0x1900  }
0x29: {  	[sflag:s21] =	ssyncset.done $0x0  }
0x2a: {  	[sflag:s21] =	ssyncadd.s32 $0xFFFFE700  }
0x2b: {  	_ =	swait.ge [sflag:s21], $0x1900  }
0x2c: {  	[sflag:s21] =	ssyncset.done $0x0  }
0x2d: {  	s31 =	simm.s32 $0xE0;
	[sflag:s21] =	ssyncadd.s32 $0xFFFFE700  }
0x2e: {  	[tilespmem:s15], [sflag:$0x1] =	stream.indirect.gather [hbm4b:s2+s14], $0x80, s31, s14, $0xb8;
	[tilespmem:$0xE000] =	vst v63  }
0x2f: {  	_ =	swait.ge [sflag:s22], $0x1900  }
0x30: {  	[sflag:s22] =	ssyncset.done $0x0  }
0x31: {  	[sflag:s22] =	ssyncadd.s32 $0xFFFFE700  }
0x32: {  	_ =	swait.ge [sflag:s22], $0x1900  }
0x33: {  	s26 =	simm.s32 $0x230;
	[sflag:s22] =	ssyncset.done $0x0  }
0x34: {  	s25 =	simm.s32 $0xE00;
	s24 =	simm.s32 $0x150;
	[sflag:s22] =	ssyncadd.s32 $0xFFFFE700  }
.LBB2_2:
0x35: {  	[tilespmem:s16], [sflag:$0x2] =	stream.indirect.gather [hbm4b:s2+s14], $0x80, s24, s14, $0xb8;
	[tilespmem:$0xE000] =	vst v63  }
0x36: {  	s28 =	smov.u32 s25;
	s24 =	smov.u32 s26  }
0x37: {  	p0 =	sne.s32 s25, $0x6E400;
	s25 =	sadd.s32 $0xE00, s25;
	_ =	swait.ge [sflag:s17], $0x3800  }
0x38: {  	[sflag:s17] =	ssyncset.done $0x0  }
0x39: {  	s29 =	sadd.s32 s28, s11;
	[sflag:s17] =	ssyncadd.s32 $0xFFFFC800  }
0x3a: {  	[hbm4b:s29+s3] =	stream.linear.scatter [tilespmem:s15], [sflag:$0x3], $0x1900, $0x38;
	[tilespmem:$0xE000] =	vst v63  }
0x3b: {  	s30 =	sadd.s32 s28, s12  }
0x3c: {  	[hbm4b:s30+s3] =	stream.linear.scatter [tilespmem:s18], [sflag:$0x3], $0x1900, $0x38;
	[tilespmem:$0xE000] =	vst v63  }
0x3d: {  	_ =	swait.ge [sflag:s19], $0x3800  }
0x3e: {  	[sflag:s19] =	ssyncset.done $0x0  }
0x3f: {  	s29 =	sadd.s32 $0x700, s29;
	[sflag:s19] =	ssyncadd.s32 $0xFFFFC800  }
0x40: {  	[hbm4b:s29+s3] =	stream.linear.scatter [tilespmem:s16], [sflag:$0x4], $0x1900, $0x38;
	[tilespmem:$0xE000] =	vst v63  }
0x41: {  	s28 =	sadd.s32 s28, s10  }
0x42: {  	[hbm4b:s28+s3] =	stream.linear.scatter [tilespmem:s20], [sflag:$0x4], $0x1900, $0x38;
	[tilespmem:$0xE000] =	vst v63  }
0x43: {  	_ =	swait.ge [sflag:s21], $0x1900  }
0x44: {  	[sflag:s21] =	ssyncset.done $0x0  }
0x45: {  	[sflag:s21] =	ssyncadd.s32 $0xFFFFE700  }
0x46: {  	_ =	swait.ge [sflag:s21], $0x1900  }
0x47: {  	[sflag:s21] =	ssyncset.done $0x0  }
0x48: {  	s28 =	sadd.s32 $0xFFFFFF90, s26;
	[sflag:s21] =	ssyncadd.s32 $0xFFFFE700  }
0x49: {  	[tilespmem:s15], [sflag:$0x1] =	stream.indirect.gather [hbm4b:s2+s14], $0x80, s28, s14, $0xb8;
	[tilespmem:$0xE000] =	vst v63  }
0x4a: {  	_ =	swait.ge [sflag:s22], $0x1900  }
.Ltmp0:
0x4b: {  	[sflag:s22] =	ssyncset.done $0x0;
	(pc) =	sbr.rel @p0 .LBB2_2-.Ltmp0, $4  }
0x4c: {  	[sflag:s22] =	ssyncadd.s32 $0xFFFFE700  }
0x4d: {  	_ =	swait.ge [sflag:s22], $0x1900  }
0x4e: {  	[sflag:s22] =	ssyncset.done $0x0  }
0x4f: {  	s26 =	sadd.s32 $0xE0, s26;
	[sflag:s22] =	ssyncadd.s32 $0xFFFFE700  }
0x50: {  	[tilespmem:s16], [sflag:$0x2] =	stream.indirect.gather [hbm4b:s2+s14], $0x80, s24, s14, $0xb8;
	[tilespmem:$0xE000] =	vst v63  }
0x51: {  	_ =	swait.ge [sflag:s17], $0x3800  }
0x52: {  	[sflag:s17] =	ssyncset.done $0x0  }
0x53: {  	[sflag:s17] =	ssyncadd.s32 $0xFFFFC800  }
0x54: {  	[hbm4b:s6+s3] =	stream.linear.scatter [tilespmem:s15], [sflag:$0x3], $0x1900, $0x38;
	[tilespmem:$0xE000] =	vst v63  }
0x55: {  	_ = 	snop  }
0x56: {  	[hbm4b:s7+s3] =	stream.linear.scatter [tilespmem:s18], [sflag:$0x3], $0x1900, $0x38;
	[tilespmem:$0xE000] =	vst v63  }
0x57: {  	_ =	swait.ge [sflag:s19], $0x3800  }
0x58: {  	[sflag:s19] =	ssyncset.done $0x0  }
0x59: {  	[sflag:s19] =	ssyncadd.s32 $0xFFFFC800  }
0x5a: {  	[hbm4b:s8+s3] =	stream.linear.scatter [tilespmem:s16], [sflag:$0x4], $0x1900, $0x38;
	[tilespmem:$0xE000] =	vst v63  }
0x5b: {  	_ = 	snop  }
0x5c: {  	[hbm4b:s9+s3] =	stream.linear.scatter [tilespmem:s20], [sflag:$0x4], $0x1900, $0x38;
	[tilespmem:$0xE000] =	vst v63  }
0x5d: {  	_ =	swait.ge [sflag:s21], $0x1900  }
0x5e: {  	[sflag:s21] =	ssyncset.done $0x0  }
0x5f: {  	[sflag:s21] =	ssyncadd.s32 $0xFFFFE700  }
0x60: {  	_ =	swait.ge [sflag:s21], $0x1900  }
0x61: {  	[sflag:s21] =	ssyncset.done $0x0  }
0x62: {  	s23 =	sadd.s32 $0x1, s23;
	[sflag:s21] =	ssyncadd.s32 $0xFFFFE700  }
0x63: {  	p0 =	sne.s32 s23, s5;
	_ =	swait.ge [sflag:s22], $0x1900  }
.Ltmp1:
0x64: {  	[sflag:s22] =	ssyncset.done $0x0;
	(pc) =	sbr.rel @p0 .LBB2_1-.Ltmp1, $4  }
0x65: {  	[sflag:s22] =	ssyncadd.s32 $0xFFFFE700  }
0x66: {  	_ =	swait.ge [sflag:s22], $0x1900  }
0x67: {  	[sflag:s22] =	ssyncset.done $0x0  }
0x68: {  	[sflag:s22] =	ssyncadd.s32 $0xFFFFE700  }
0x69: {  	_ =	sfence.sel $0x180000  }
0x6a: {  	[bflag:$0x0] =	sbarrier.arrive $0xFFFF  }
0x6b: {  	p0 =	sne.s32 s0, $0x0;
	_ =	strace $0x90000047  }
0x6c: {  	s0 =	sadd.s32 @!p0 $0x100000, s1;
	[bflag:$0x2] =	sbarrier.arrive $0xFFFF  }
0x6d: {  	[sflag:s0] =	ssyncadd.tile.s32 @!p0 $0x1;
	_ =	shalt  }
.Lfunc_end2:
_tile_overlayer_lowered:
.L_overlay_start_2:
0x6e: {  	(tag) =	ssettag $0x2  }
0x6f: {  	s0 =	rddreg [dreg:$0x0];
	s2 =	stileid.u32  }
0x70: {  	s1 =	rddreg [dreg:$0x1];
	p0 =	sne.s32 s2, $0x0  }
0x71: {  	s3 =	rddreg [dreg:$0x2];
	[bflag:$0x3] =	sbarrier.arrive $0xFFFF;
	s2 =	simm.s32 @!p0 $0x1C05  }
0x72: {  	[timem:s3], [sflag:s2] =	dma.local @!p0 [hbm:s0], s1  }
0x73: {  	s0 =	simm.s32 @!p0 $0x5  }
0x74: {  	_ =	swait.ge @!p0 [sflag:s0], s1  }
0x75: {  	s1 =	ssub.s32 @!p0 $0x0, s1;
	[sflag:s0] =	ssyncset.done @!p0 $0x0  }
0x76: {  	[sflag:s0] =	ssyncadd.s32 @!p0 s1  }
0x77: {  	[bflag:$0x3] =	sbarrier.arrive $0xFFFF  }
0x78: {  	_ =	shalt  }

// kernel: _run.7.cloned.1.call-start
scs
__scs_entry_jumppad:
0x0: {  	(pc) =	sbr.rel $0x88, $3  }
0x1: {  	(tag) =	ssettag $0x0;
	lr =	simm.s32 $0x1  }
0x2: {  	[smem:$0x3F9E] =	sst lr;
	_ =	strace $0xD0000000  }
0x3: {  	_ = 	snop  }
0x4: {  	_ = 	snop  }
0x5: {  	_ = 	snop  }
0x6: {  	_ = 	snop  }
0x7: {  	_ = 	snop  }
__scs_overlays_trampoline_lowered:
0x8: {  	[smem:$0x3FAD] =	sst s0  }
0x9: {  	[smem:$0x3FAE] =	sst s1  }
0xa: {  	[smem:$0x3FAF] =	sst s2  }
0xb: {  	[smem:$0x3FB0] =	sst s3  }
0xc: {  	[smem:$0x3FB1] =	sst s4  }
0xd: {  	[smem:$0x3FB2] =	sst s5  }
0xe: {  	[smem:$0x3FB3] =	sst s6  }
0xf: {  	[smem:$0x3FB4] =	sst s7  }
0x10: {  	[smem:$0x3FB5] =	sst s8  }
0x11: {  	[smem:$0x3FB6] =	sst s9;
	s0 =	simm.s32 @!p0 $0x0  }
0x12: {  	s1 =	sld [smem:$0x3F9C];
	s0 =	simm.s32 @p0 $0x1  }
0x13: {  	[smem:$0x3FB7] =	sst s0;
	s0 =	simm.s32 @!p1 $0x0  }
0x14: {  	s2 =	sld [smem:$0x3F9B];
	s0 =	simm.s32 @p1 $0x1  }
0x15: {  	[smem:$0x3FB8] =	sst s0;
	s0 =	simm.s32 @!p2 $0x0  }
0x16: {  	s3 =	sld [smem:$0x3FDB];
	s0 =	simm.s32 @p2 $0x1  }
0x17: {  	s4 =	simm.s32 $0x1BF5;
	[smem:$0x3FBA] =	sst s0  }
0x18: {  	s0 =	sld [smem:$0x3F9D];
	_ =	swait.ge [sflag:s4], $0x0  }
0x19: {  	s7 =	sld [smem:$0x3F9E]  }
0x1a: {  	s8 =	sadd.s32 $0xFFFFE003, lr  }
0x1b: {  	s9 =	sadd.s32 $0xFFFFFEF7, lr;
	s5 =	simm.s32 $0xFFFFFFFF;
	p2 =	slt.u32 s8, $0xFFFFF086  }
0x1c: {  	p1 =	slt.u32 s9, $0xF7A;
	s5 =	simm.s32 @!p2 $0x0  }
0x1d: {  	s5 =	simm.s32 @p1 $0x1;
	p0 =	seq.s32 s7, s2  }
0x1e: {  	s7 =	smul.u32 @!p0 $0xF7A, s2;
	p2 =	seq.s32 @!p0 s5, $0x0  }
0x1f: {  	s9 =	smul.u32 $0xF7A, s1;
	s8 =	simm.s32 @!p0 $0x1BF5;
	p2 =	por !p2, p0  }
0x20: {  	[sflag:s8] =	ssyncset.s32 @!p0 $0xFFFFF086;
	s6 =	sadd.s32 @!p0 s3, s7;
	s7 =	simm.s32 @!p0 $0x108  }
0x21: {  	s3 =	sadd.s32 s3, s9;
	s6 =	sadd.s32 @!p0 $0x88, s6;
	s7 =	simm.s32 @p2 $0x1082  }
0x22: {  	[simem:s7], [sflag:s8] =	dma.local @!p0 [hbm:s6], $0xF7A  }
0x23: {  	s9 =	sor.u32 $0xD0000000, s2;
	s6 =	simm.s32 $0x108;
	_ =	swait.ge @!p0 [sflag:s8], $0x0  }
0x24: {  	s3 =	sadd.s32 $0x88, s3;
	s6 =	simm.s32 @!p1 $0x1082;
	[sflag:s4] =	ssyncset.s32 $0xFFFFF086  }
0x25: {  	[simem:s6], [sflag:s4] =	dma.local [hbm:s3], $0xF7A  }
0x26: {  	[smem:$0x3F9E] =	sst s1;
	(tag) =	ssettag s2;
	_ =	strace s9  }
0x27: {  	s1 =	sld [smem:$0x3FAE]  }
0x28: {  	s2 =	sld [smem:$0x3FAF]  }
0x29: {  	s4 =	sld [smem:$0x3FB1]  }
0x2a: {  	p0 =	seq.s32 s5, $0x0;
	s5 =	sld [smem:$0x3FB2]  }
0x2b: {  	s6 =	sld [smem:$0x3FB3]  }
0x2c: {  	s7 =	sld [smem:$0x3FB4]  }
0x2d: {  	s3 =	simm.s32 $0x108;
	s8 =	sld [smem:$0x3FB5]  }
0x2e: {  	s3 =	simm.s32 @!p0 $0x1082;
	s9 =	sld [smem:$0x3FB6]  }
0x2f: {  	lr =	sadd.s32 s0, s3;
	s0 =	sld [smem:$0x3FAD]  }
0x30: {  	s3 =	sld [smem:$0x3FB0]  }
0x31: {  	[smem:$0x3FB9] =	sst s10  }
0x32: {  	s10 =	sld [smem:$0x3FB7];
	_ =	sdelay $0x3  }
0x33: {  	p0 =	seq.s32 s10, $0x1;
	s10 =	sld [smem:$0x3FB9];
	_ =	sdelay $0x3  }
0x34: {  	[smem:$0x3FB9] =	sst s10  }
0x35: {  	s10 =	sld [smem:$0x3FB8];
	_ =	sdelay $0x3  }
0x36: {  	p1 =	seq.s32 s10, $0x1;
	s10 =	sld [smem:$0x3FB9];
	_ =	sdelay $0x3  }
0x37: {  	[smem:$0x3FB9] =	sst s10  }
0x38: {  	s10 =	sld [smem:$0x3FBA]  }
0x39: {  	_ = 	snop;
	(pc) =	sbr.ind lr, $3  }
0x3a: {  	_ = 	snop  }
0x3b: {  	_ = 	snop  }
0x3c: {  	p2 =	seq.s32 s10, $0x1;
	s10 =	sld [smem:$0x3FB9]  }
0x3d: {  	_ =	shalt  }
0x3e: {  	_ =	shalt  }
0x3f: {  	_ =	shalt  }
0x40: {  	_ =	shalt  }
0x41: {  	_ =	shalt  }
0x42: {  	_ =	shalt  }
0x43: {  	_ =	shalt  }
0x44: {  	_ =	shalt  }
0x45: {  	_ =	shalt  }
0x46: {  	_ =	shalt  }
0x47: {  	_ =	shalt  }
0x48: {  	_ =	shalt  }
0x49: {  	_ =	shalt  }
0x4a: {  	_ =	shalt  }
0x4b: {  	_ =	shalt  }
0x4c: {  	_ =	shalt  }
0x4d: {  	_ =	shalt  }
0x4e: {  	_ =	shalt  }
0x4f: {  	_ =	shalt  }
0x50: {  	_ =	shalt  }
0x51: {  	_ =	shalt  }
0x52: {  	_ =	shalt  }
0x53: {  	_ =	shalt  }
0x54: {  	_ =	shalt  }
0x55: {  	_ =	shalt  }
0x56: {  	_ =	shalt  }
0x57: {  	_ =	shalt  }
0x58: {  	_ =	shalt  }
0x59: {  	_ =	shalt  }
0x5a: {  	_ =	shalt  }
0x5b: {  	_ =	shalt  }
0x5c: {  	_ =	shalt  }
0x5d: {  	_ =	shalt  }
0x5e: {  	_ =	shalt  }
0x5f: {  	_ =	shalt  }
0x60: {  	_ =	shalt  }
0x61: {  	_ =	shalt  }
0x62: {  	_ =	shalt  }
0x63: {  	_ =	shalt  }
0x64: {  	_ =	shalt  }
0x65: {  	_ =	shalt  }
0x66: {  	_ =	shalt  }
0x67: {  	_ =	shalt  }
0x68: {  	_ =	shalt  }
0x69: {  	_ =	shalt  }
0x6a: {  	_ =	shalt  }
0x6b: {  	_ =	shalt  }
0x6c: {  	_ =	shalt  }
0x6d: {  	_ =	shalt  }
0x6e: {  	_ =	shalt  }
0x6f: {  	_ =	shalt  }
0x70: {  	_ =	shalt  }
0x71: {  	_ =	shalt  }
0x72: {  	_ =	shalt  }
0x73: {  	_ =	shalt  }
0x74: {  	_ =	shalt  }
0x75: {  	_ =	shalt  }
0x76: {  	_ =	shalt  }
0x77: {  	_ =	shalt  }
0x78: {  	_ =	shalt  }
0x79: {  	_ =	shalt  }
0x7a: {  	_ =	shalt  }
0x7b: {  	_ =	shalt  }
0x7c: {  	_ =	shalt  }
0x7d: {  	_ =	shalt  }
0x7e: {  	_ =	shalt  }
0x7f: {  	_ =	shalt  }
0x80: {  	_ =	shalt  }
0x81: {  	_ =	shalt  }
0x82: {  	_ =	shalt  }
0x83: {  	_ =	shalt  }
0x84: {  	_ =	shalt  }
0x85: {  	_ =	shalt  }
0x86: {  	_ =	shalt  }
0x87: {  	_ =	shalt  }
.Lfunc_end0:
.L_simem_size_0:
called_computation.1_lowered:
.L_overlay_start_0:
0x88: {  	s2 =	sld [smem:$0x3FD9]  }
0x89: {  	s3 =	sld [smem:$0x3FFE];
	_ =	sdelay $0x1  }
0x8a: {  	s1 =	srdreg.scid  }
0x8b: {  	s0 =	sand.u32 $0x1, s1  }
0x8c: {  	s17 =	sshll.u32 s0, $0xA;
	s2 =	sadd.s32 s3, s2  }
0x8d: {  	s2 =	sadd.s32 s2, s17  }
0x8e: {  	[smem:$0x3FC5] =	sst s2  }
0x8f: {  	_ = 	snop  }
0x90: {  	s18 =	sld [smem:$0x3FC9]  }
0x91: {  	s4 =	sld [smem:$0x3FC7];
	(tm) =	ssettm $0x1  }
0x92: {  	s19 =	sld [smem:$0x3FFB];
	_ =	sdelay $0x3  }
0x93: {  	_ =	strace s19  }
0x94: {  	s2 =	sld [smem:$0x3FFC];
	_ =	sdelay $0x3  }
0x95: {  	_ =	strace s2  }
0x96: {  	s2 =	sld [smem:$0x3FFD];
	_ =	sdelay $0x3  }
0x97: {  	_ =	strace s2  }
0x98: {  	_ =	strace $0x8FFFFFFF  }
0x99: {  	s20 =	sld [smem:$0x3FDB];
	_ =	sdelay $0x1  }
0x9a: {  	s5 =	simm.s32 $_scs_section_size  }
0x9b: {  	s6 =	simm.s32 $_size__tile_overlayer_lowered;
	s7 =	simm.s32 $_tile_overlayer_lowered  }
0x9c: {  	s8 =	simm.s32 $0x1BFF;
	s21 =	sshll.u32 s7, $0x1;
	s5 =	sadd.s32 s5, s20  }
0x9d: {  	s22 =	simm.s32 $0x0;
	s6 =	sshll.u32 s6, $0x1;
	s7 =	sadd.s32 s21, s5  }
0x9e: {  	[timem:s22], [sflag:s8] =	dma.local [hbm:s7], s6  }
0x9f: {  	_ =	swait.ge [sflag:s8], s6  }
0xa0: {  	s6 =	ssub.s32 $0x0, s6;
	[sflag:s8] =	ssyncset.done $0x0  }
0xa1: {  	[sflag:s8] =	ssyncadd.s32 s6;
	_ =	sdelay $0x1  }
0xa2: {  	s23 =	simm.s32 $0x1B8B  }
0xa3: {  	_ =	swait.ge [sflag:s23], $0x1  }
0xa4: {  	[sflag:s23] =	ssyncset.done $0x0  }
0xa5: {  	[sflag:s23] =	ssyncadd.s32 $0xFFFFFFFF  }
0xa6: {  	s6 =	sld [smem:$0x0]  }
0xa7: {  	s7 =	sand.u32 $0xFFFFFFFE, s1  }
0xa8: {  	p0 =	sne.s32 s1, s7  }
0xa9: {  	s7 =	sshll.u32 @p0 s7, $0xE  }
0xaa: {  	s7 =	sadd.s32 @p0 $0x11B8D, s7;
	s8 =	sshll.u32 @p0 s6, $0x11  }
0xab: {  	s7 =	sor.u32 @p0 s8, s7  }
0xac: {  	[sflag:s7] =	ssyncadd.remote.s32 @p0 $0x1;
	_ =	sdelay $0x1  }
0xad: {  	s7 =	simm.s32 @p0 $0x1B8D  }
0xae: {  	_ =	swait.eq @p0 [sflag:s7], $0x1  }
0xaf: {  	[sflag:s7] =	ssyncadd.s32 @p0 $0xFFFFFFFF  }
0xb0: {  	s8 =	sshll.u32 @!p0 s1, $0xE  }
0xb1: {  	s8 =	sor.u32 @!p0 $0x4000, s8;
	s7 =	simm.s32 @!p0 $0x1B8D  }
0xb2: {  	s6 =	sshll.u32 @!p0 s6, $0x11;
	s8 =	sadd.s32 @!p0 $0x11B8D, s8;
	_ =	swait.eq @!p0 [sflag:s7], $0x1  }
0xb3: {  	s6 =	sor.u32 @!p0 s6, s8;
	[sflag:s7] =	ssyncadd.s32 @!p0 $0xFFFFFFFF  }
0xb4: {  	s25 =	simm.s32 $0x1B8E;
	s24 =	sld [smem:$0x3FFE];
	[sflag:s6] =	ssyncadd.remote.s32 @!p0 $0x1  }
0xb5: {  	s26 =	simm.s32 $execute0_lowered;
	[smem:$0x3FD2] =	sst s25  }
0xb6: {  	s7 =	sshll.u32 s26, $0x1;
	_ =	strace $0x80000049;
	[dreg:$0x1] =	wrdreg $0xFFFFFFFF  }
0xb7: {  	s28 =	simm.s32 $_size_execute0_lowered;
	s5 =	sadd.s32 s5, s7;
	[dreg:$0x0] =	wrdreg $0x0  }
0xb8: {  	s7 =	sshll.u32 s28, $0x1;
	[dreg:$0x2] =	wrdreg s5  }
0xb9: {  	[dreg:$0x3] =	wrdreg s7  }
0xba: {  	[dreg:$0x4] =	wrdreg $0xC0  }
0xbb: {  	_ =	task [dreg:s22], $0x5FFFF  }
0xbc: {  	[dreg:$0x1] =	wrdreg $0xFFFFFFFF  }
0xbd: {  	[dreg:$0x0] =	wrdreg $0x60  }
0xbe: {  	[dreg:$0x2] =	wrdreg s18  }
0xbf: {  	[dreg:$0x3] =	wrdreg s4  }
0xc0: {  	[dreg:$0x4] =	wrdreg s24  }
0xc1: {  	[dreg:$0x5] =	wrdreg $0xA  }
0xc2: {  	_ =	task.clear_ibuf [dreg:s22], $0x6FFFF;
	_ =	strace $0x90000049  }
0xc3: {  	s29 =	simm.s32 $0xA;
	_ =	strace $0x8000004B  }
0xc4: {  	_ =	swait.ge [sflag:s29], $0x1  }
0xc5: {  	[sflag:s29] =	ssyncadd.s32 $0xFFFFFFFF  }
0xc6: {  	_ =	strace $0x9000004B  }
0xc7: {  	_ =	sfence  }
0xc8: {  	s30 =	sld [smem:$0x0];
	_ =	sdelay $0x2  }
0xc9: {  	s31 =	sshll.u32 s1, $0xD;
	s1 =	sshrl.u32 s1, $0x2  }
0xca: {  	s4 =	sand.u32 $0x4000, s31;
	s1 =	sadd.s32 s1, s30  }
0xcb: {  	s0 =	sor.u32 s4, s0;
	s1 =	sshll.u32 s1, $0x11  }
0xcc: {  	s0 =	sor.u32 s1, s0  }
0xcd: {  	s0 =	sadd.s32 $0x8F2B, s0  }
0xce: {  	[sflag:s0] =	ssyncadd.remote.s32 $0x1  }
0xcf: {  	_ =	sfence.sel $0xFFFF  }
0xd0: {  	[dreg:$0x0] =	wrdreg $0xFFFFFFFF;
	(pc) =	sbr.abs _section_cstart, $3  }
0xd1: {  	[dreg:$0x1] =	wrdreg $0xFFFFFFFF  }
0xd2: {  	_ =	task.clear_ibuf [dreg:s22], $0x2FFFF;
	_ =	strace $0x9FFFFFFF  }
0xd3: {  	(tm) =	ssettm $0x7FFFFFFF  }
tec
execute0_lowered:
.L_overlay_start_1:
0x0: {  	(tag) =	ssettag $0x1  }
0x1: {  	s4 =	rddreg [dreg:$0x0];
	s1 =	srdreg.scid  }
0x2: {  	s0 =	stileid.u32;
	s2 =	rddreg [dreg:$0x1]  }
0x3: {  	s5 =	rddreg [dreg:$0x2];
	s3 =	simm.s32 $0x0;
	s16 =	simm.s32 $0xA800  }
0x4: {  	s17 =	simm.s32 $0x1;
	s18 =	simm.s32 $0x8C00;
	s19 =	simm.s32 $0x2  }
0x5: {  	s20 =	simm.s32 $0xC400;
	s10 =	sand.u32 $0x1, s1;
	s1 =	rddreg [dreg:$0x3]  }
0x6: {  	s21 =	sshll.u32 s0, $0x1;
	[smem:$0x7FF] =	sst s3;
	s14 =	smul.u32 $0x700000, s0  }
0x7: {  	s12 =	sadd.s32 $0xE00800, s5;
	s28 =	smul.u32 $0xE0000, s0;
	s6 =	sor.u32 s10, s21  }
0x8: {  	_ =	strace $0x8000004A;
	s11 =	ssub.s32 $0x2, s10;
	s25 =	smul.u32 $0x380000, s10  }
0x9: {  	s15 =	smul.u32 $0x70000, s10;
	s21 =	simm.s32 $0x3;
	s7 =	sshll.u32 s6, $0x9  }
0xa: {  	s6 =	smul.u32 $0xE00, s6;
	s22 =	sshrl.u32 s11, $0x1;
	s8 =	sor.u32 $0x1FC, s7  }
0xb: {  	s31 =	sadd.s32 s28, s12;
	s7 =	sor.u32 $0x1FE, s7;
	s9 =	smul.u32 $0x380, s8  }
0xc: {  	s5 =	ssub.s32 s11, s22;
	s26 =	sadd.s32 s25, s14;
	s8 =	smul.u32 $0x1C00, s8  }
0xd: {  	s14 =	simm.s32 $0x70;
	s22 =	simm.s32 $0x4;
	s13 =	smul.u32 $0x380, s7  }
0xe: {  	s4 =	sadd.s32 s4, s6;
	s23 =	smul.u32 $0x1C00, s7;
	s29 =	sor.u32 $0x5400, s26  }
0xf: {  	s5 =	smax.u32 s5, $0x1;
	s30 =	sshrl.u32 s29, $0x3;
	s24 =	sshrl.u32 s8, $0x3  }
0x10: {  	s6 =	sadd.s32 s12, s9;
	s8 =	sadd.s32 s12, s13;
	s11 =	sshrl.u32 s23, $0x3  }
0x11: {  	s13 =	sor.u32 $0x1C00, s26;
	s10 =	sadd.s32 s30, s12;
	s23 =	simm.s32 $0x0  }
0x12: {  	s7 =	sadd.s32 s12, s24;
	s11 =	sadd.s32 s12, s11;
	s13 =	sshrl.u32 s13, $0x3  }
0x13: {  	s7 =	sadd.s32 $0x380, s7;
	s9 =	sadd.s32 $0x380, s11;
	s11 =	sadd.s32 s15, s31  }
0x14: {  	s12 =	sadd.s32 s13, s12;
	s13 =	simm.s32 $0x5;
	s15 =	simm.s32 $0x7000  }
.LBB2_1:
0x15: {  	[tilespmem:s3], [sflag:$0x5] =	stream.linear.gather [hbm4b:s4+s3], $0x7000, $0x38;
	[tilespmem:$0xE000] =	vst v63  }
0x16: {  	_ =	swait.ge [sflag:s13], $0x7000  }
0x17: {  	[sflag:s13] =	ssyncset.done $0x0  }
0x18: {  	[sflag:s13] =	ssyncadd.s32 $0xFFFF9000  }
0x19: {  	[tilespmem:s15], [sflag:$0x1] =	stream.indirect.gather [hbm4b:s2+s14], $0x80, s3, s14, $0xb8;
	[tilespmem:$0xE000] =	vst v63  }
0x1a: {  	_ = 	snop  }
0x1b: {  	[tilespmem:s16], [sflag:$0x2] =	stream.indirect.gather [hbm4b:s2+s14], $0x80, s14, s14, $0xb8;
	[tilespmem:$0xE000] =	vst v63  }
0x1c: {  	_ =	swait.ge [sflag:s17], $0x3800  }
0x1d: {  	[sflag:s17] =	ssyncset.done $0x0  }
0x1e: {  	s24 =	sadd.s32 $0x0, s11;
	[sflag:s17] =	ssyncadd.s32 $0xFFFFC800  }
0x1f: {  	[hbm4b:s24+s3] =	stream.linear.scatter [tilespmem:s15], [sflag:$0x3], $0x1900, $0x38;
	[tilespmem:$0xE000] =	vst v63  }
0x20: {  	s25 =	sadd.s32 $0x0, s12  }
0x21: {  	[hbm4b:s25+s3] =	stream.linear.scatter [tilespmem:s18], [sflag:$0x3], $0x1900, $0x38;
	[tilespmem:$0xE000] =	vst v63  }
0x22: {  	_ =	swait.ge [sflag:s19], $0x3800  }
0x23: {  	[sflag:s19] =	ssyncset.done $0x0  }
0x24: {  	s24 =	sadd.s32 $0x700, s24;
	[sflag:s19] =	ssyncadd.s32 $0xFFFFC800  }
0x25: {  	[hbm4b:s24+s3] =	stream.linear.scatter [tilespmem:s16], [sflag:$0x4], $0x1900, $0x38;
	[tilespmem:$0xE000] =	vst v63  }
0x26: {  	s30 =	sadd.s32 $0x0, s10  }
0x27: {  	[hbm4b:s30+s3] =	stream.linear.scatter [tilespmem:s20], [sflag:$0x4], $0x1900, $0x38;
	[tilespmem:$0xE000] =	vst v63  }
0x28: {  	_ =	swait.ge [sflag:s21], $0x1900  }
0x29: {  	[sflag:s21] =	ssyncset.done $0x0  }
0x2a: {  	[sflag:s21] =	ssyncadd.s32 $0xFFFFE700  }
0x2b: {  	_ =	swait.ge [sflag:s21], $0x1900  }
0x2c: {  	[sflag:s21] =	ssyncset.done $0x0  }
0x2d: {  	s31 =	simm.s32 $0xE0;
	[sflag:s21] =	ssyncadd.s32 $0xFFFFE700  }
0x2e: {  	[tilespmem:s15], [sflag:$0x1] =	stream.indirect.gather [hbm4b:s2+s14], $0x80, s31, s14, $0xb8;
	[tilespmem:$0xE000] =	vst v63  }
0x2f: {  	_ =	swait.ge [sflag:s22], $0x1900  }
0x30: {  	[sflag:s22] =	ssyncset.done $0x0  }
0x31: {  	[sflag:s22] =	ssyncadd.s32 $0xFFFFE700  }
0x32: {  	_ =	swait.ge [sflag:s22], $0x1900  }
0x33: {  	s26 =	simm.s32 $0x230;
	[sflag:s22] =	ssyncset.done $0x0  }
0x34: {  	s25 =	simm.s32 $0xE00;
	s24 =	simm.s32 $0x150;
	[sflag:s22] =	ssyncadd.s32 $0xFFFFE700  }
.LBB2_2:
0x35: {  	[tilespmem:s16], [sflag:$0x2] =	stream.indirect.gather [hbm4b:s2+s14], $0x80, s24, s14, $0xb8;
	[tilespmem:$0xE000] =	vst v63  }
0x36: {  	s28 =	smov.u32 s25;
	s24 =	smov.u32 s26  }
0x37: {  	p0 =	sne.s32 s25, $0x6E400;
	s25 =	sadd.s32 $0xE00, s25;
	_ =	swait.ge [sflag:s17], $0x3800  }
0x38: {  	[sflag:s17] =	ssyncset.done $0x0  }
0x39: {  	s29 =	sadd.s32 s28, s11;
	[sflag:s17] =	ssyncadd.s32 $0xFFFFC800  }
0x3a: {  	[hbm4b:s29+s3] =	stream.linear.scatter [tilespmem:s15], [sflag:$0x3], $0x1900, $0x38;
	[tilespmem:$0xE000] =	vst v63  }
0x3b: {  	s30 =	sadd.s32 s28, s12  }
0x3c: {  	[hbm4b:s30+s3] =	stream.linear.scatter [tilespmem:s18], [sflag:$0x3], $0x1900, $0x38;
	[tilespmem:$0xE000] =	vst v63  }
0x3d: {  	_ =	swait.ge [sflag:s19], $0x3800  }
0x3e: {  	[sflag:s19] =	ssyncset.done $0x0  }
0x3f: {  	s29 =	sadd.s32 $0x700, s29;
	[sflag:s19] =	ssyncadd.s32 $0xFFFFC800  }
0x40: {  	[hbm4b:s29+s3] =	stream.linear.scatter [tilespmem:s16], [sflag:$0x4], $0x1900, $0x38;
	[tilespmem:$0xE000] =	vst v63  }
0x41: {  	s28 =	sadd.s32 s28, s10  }
0x42: {  	[hbm4b:s28+s3] =	stream.linear.scatter [tilespmem:s20], [sflag:$0x4], $0x1900, $0x38;
	[tilespmem:$0xE000] =	vst v63  }
0x43: {  	_ =	swait.ge [sflag:s21], $0x1900  }
0x44: {  	[sflag:s21] =	ssyncset.done $0x0  }
0x45: {  	[sflag:s21] =	ssyncadd.s32 $0xFFFFE700  }
0x46: {  	_ =	swait.ge [sflag:s21], $0x1900  }
0x47: {  	[sflag:s21] =	ssyncset.done $0x0  }
0x48: {  	s28 =	sadd.s32 $0xFFFFFF90, s26;
	[sflag:s21] =	ssyncadd.s32 $0xFFFFE700  }
0x49: {  	[tilespmem:s15], [sflag:$0x1] =	stream.indirect.gather [hbm4b:s2+s14], $0x80, s28, s14, $0xb8;
	[tilespmem:$0xE000] =	vst v63  }
0x4a: {  	_ =	swait.ge [sflag:s22], $0x1900  }
.Ltmp0:
0x4b: {  	[sflag:s22] =	ssyncset.done $0x0;
	(pc) =	sbr.rel @p0 .LBB2_2-.Ltmp0, $4  }
0x4c: {  	[sflag:s22] =	ssyncadd.s32 $0xFFFFE700  }
0x4d: {  	_ =	swait.ge [sflag:s22], $0x1900  }
0x4e: {  	[sflag:s22] =	ssyncset.done $0x0  }
0x4f: {  	s26 =	sadd.s32 $0xE0, s26;
	[sflag:s22] =	ssyncadd.s32 $0xFFFFE700  }
0x50: {  	[tilespmem:s16], [sflag:$0x2] =	stream.indirect.gather [hbm4b:s2+s14], $0x80, s24, s14, $0xb8;
	[tilespmem:$0xE000] =	vst v63  }
0x51: {  	_ =	swait.ge [sflag:s17], $0x3800  }
0x52: {  	[sflag:s17] =	ssyncset.done $0x0  }
0x53: {  	[sflag:s17] =	ssyncadd.s32 $0xFFFFC800  }
0x54: {  	[hbm4b:s6+s3] =	stream.linear.scatter [tilespmem:s15], [sflag:$0x3], $0x1900, $0x38;
	[tilespmem:$0xE000] =	vst v63  }
0x55: {  	_ = 	snop  }
0x56: {  	[hbm4b:s7+s3] =	stream.linear.scatter [tilespmem:s18], [sflag:$0x3], $0x1900, $0x38;
	[tilespmem:$0xE000] =	vst v63  }
0x57: {  	_ =	swait.ge [sflag:s19], $0x3800  }
0x58: {  	[sflag:s19] =	ssyncset.done $0x0  }
0x59: {  	[sflag:s19] =	ssyncadd.s32 $0xFFFFC800  }
0x5a: {  	[hbm4b:s8+s3] =	stream.linear.scatter [tilespmem:s16], [sflag:$0x4], $0x1900, $0x38;
	[tilespmem:$0xE000] =	vst v63  }
0x5b: {  	_ = 	snop  }
0x5c: {  	[hbm4b:s9+s3] =	stream.linear.scatter [tilespmem:s20], [sflag:$0x4], $0x1900, $0x38;
	[tilespmem:$0xE000] =	vst v63  }
0x5d: {  	_ =	swait.ge [sflag:s21], $0x1900  }
0x5e: {  	[sflag:s21] =	ssyncset.done $0x0  }
0x5f: {  	[sflag:s21] =	ssyncadd.s32 $0xFFFFE700  }
0x60: {  	_ =	swait.ge [sflag:s21], $0x1900  }
0x61: {  	[sflag:s21] =	ssyncset.done $0x0  }
0x62: {  	s23 =	sadd.s32 $0x1, s23;
	[sflag:s21] =	ssyncadd.s32 $0xFFFFE700  }
0x63: {  	p0 =	sne.s32 s23, s5;
	_ =	swait.ge [sflag:s22], $0x1900  }
.Ltmp1:
0x64: {  	[sflag:s22] =	ssyncset.done $0x0;
	(pc) =	sbr.rel @p0 .LBB2_1-.Ltmp1, $4  }
0x65: {  	[sflag:s22] =	ssyncadd.s32 $0xFFFFE700  }
0x66: {  	_ =	swait.ge [sflag:s22], $0x1900  }
0x67: {  	[sflag:s22] =	ssyncset.done $0x0  }
0x68: {  	[sflag:s22] =	ssyncadd.s32 $0xFFFFE700  }
0x69: {  	_ =	sfence.sel $0x180000  }
0x6a: {  	[bflag:$0x0] =	sbarrier.arrive $0xFFFF  }
0x6b: {  	p0 =	sne.s32 s0, $0x0;
	_ =	strace $0x9000004A  }
0x6c: {  	s0 =	sadd.s32 @!p0 $0x100000, s1;
	[bflag:$0x2] =	sbarrier.arrive $0xFFFF  }
0x6d: {  	[sflag:s0] =	ssyncadd.tile.s32 @!p0 $0x1;
	_ =	shalt  }
.Lfunc_end2:
_tile_overlayer_lowered:
.L_overlay_start_2:
0x6e: {  	(tag) =	ssettag $0x2  }
0x6f: {  	s0 =	rddreg [dreg:$0x0];
	s2 =	stileid.u32  }
0x70: {  	s1 =	rddreg [dreg:$0x1];
	p0 =	sne.s32 s2, $0x0  }
0x71: {  	s3 =	rddreg [dreg:$0x2];
	[bflag:$0x3] =	sbarrier.arrive $0xFFFF;
	s2 =	simm.s32 @!p0 $0x1C05  }
0x72: {  	[timem:s3], [sflag:s2] =	dma.local @!p0 [hbm:s0], s1  }
0x73: {  	s0 =	simm.s32 @!p0 $0x5  }
0x74: {  	_ =	swait.ge @!p0 [sflag:s0], s1  }
0x75: {  	s1 =	ssub.s32 @!p0 $0x0, s1;
	[sflag:s0] =	ssyncset.done @!p0 $0x0  }
0x76: {  	[sflag:s0] =	ssyncadd.s32 @!p0 s1  }
0x77: {  	[bflag:$0x3] =	sbarrier.arrive $0xFFFF  }
0x78: {  	_ =	shalt  }

</sc_bundles>
